<compile_context>
chip_gen: v7x
topology: tpu7x:2x2x1
jax: 0.10.2.dev20260603
libtpu: 0.0.44.dev20260713+nightly
codegen_flags: <defaults>
</compile_context>

<pallas_src>
import functools

import jax
import jax.numpy as jnp
from jax import lax
from jax.experimental import pallas as pl
from jax.experimental.pallas import tpu as pltpu
from jax.experimental.pallas import tpu_sc as plsc

D = 64
NC, NS = 2, 16
NW = NC * NS
BT = 128
LANES = 16
NG = BT // LANES

_MESH = plsc.VectorSubcoreMesh(
    core_axis_name="c", subcore_axis_name="s", num_cores=NC, num_subcores=NS
)


def _make_emb(seq, batch):
    n_btiles = batch // BT
    assert n_btiles == NW

    PITCH = 129

    @functools.partial(
        pl.kernel,
        out_type=jax.ShapeDtypeStruct((seq, D // 8, n_btiles, 8, 128), jnp.float32),
        mesh=_MESH,
        scratch_types=[
            pltpu.VMEM((seq, BT), jnp.int32),
            pltpu.VMEM((seq, D), jnp.float32),
            pltpu.VMEM((2, BT, D), jnp.float32),
            pltpu.VMEM((2, D // 8, 8, PITCH), jnp.float32),
            pltpu.SemaphoreType.DMA,
            pltpu.SemaphoreType.DMA,
            pltpu.SemaphoreType.DMA,
            pltpu.SemaphoreType.DMA,
        ],
        compiler_params=pltpu.CompilerParams(
            use_tc_tiling_on_sc=False, needs_layout_passes=False
        ),
    )
    def emb(xt_hbm, tok_hbm, pos_hbm, out_hbm, xv, posv, gv, ov, g0, g1, w0, w1):
        gs, ws = [g0, g1], [w0, w1]
        wid = lax.axis_index("s") * NC + lax.axis_index("c")
        b0 = wid * BT

        pltpu.sync_copy(xt_hbm.at[:, pl.ds(b0, BT)], xv)
        pltpu.sync_copy(pos_hbm, posv)

        iota = lax.iota(jnp.int32, LANES)
        dt_k = [iota // 8 + 2 * k for k in range(D // LANES)]
        dr_k = iota % 8

        def fire_gather(i, b):
            pltpu.async_copy(tok_hbm.at[xv.at[i]], gv.at[b], gs[b])

        def wait_gather(b):
            pltpu.make_async_copy(tok_hbm.at[pl.ds(0, BT)], gv.at[b], gs[b]).wait()

        def wait_wb(b):
            pltpu.make_async_copy(
                ov.at[b].at[:, :, pl.ds(0, 128)], out_hbm.at[0, :, 0], ws[b]
            ).wait()

        fire_gather(0, 0)

        @pl.loop(0, seq, step=2)
        def _(s2):
            for b in range(2):
                nb = 1 - b
                i = s2 + b

                @pl.when(i + 1 < seq)
                def _():
                    fire_gather(i + 1, nb)

                wait_gather(b)

                @pl.when(i >= 2)
                def _():
                    wait_wb(b)

                pos_k = [posv[i, pl.ds(k * LANES, LANES)] for k in range(D // LANES)]
                ovb = ov.at[b]
                gvb = gv.at[b]

                @plsc.parallel_loop(0, BT, unroll=2)
                def _(j):
                    jv = jnp.broadcast_to(j, (LANES,)).astype(jnp.int32)
                    for k in range(D // LANES):
                        v = gvb[j, pl.ds(k * LANES, LANES)] + pos_k[k]
                        plsc.store_scatter(ovb, [dt_k[k], dr_k, jv], v)

                pltpu.async_copy(
                    ov.at[b].at[:, :, pl.ds(0, 128)], out_hbm.at[i, :, wid], ws[b]
                )

        wait_wb(0)
        wait_wb(1)

    return emb


def kernel(x, tok_emb, pos_emb):
    batch, seq = x.shape
    xt = jnp.transpose(x)
    out5 = _make_emb(seq, batch)(xt, tok_emb.astype(jnp.float32), pos_emb)
    out = out5.transpose((2, 4, 0, 1, 3)).reshape(batch, seq, D)
    return out

# --- scband reference (transcript-rebuilt; emitter-appended) ---
"""Pipeline reference for scband-token-positional-embedding-22239340658870 (READ-ONLY COPY).

The authoritative reference and input builder live on the scoring server;
editing this copy changes nothing except your own understanding.
"""

import jax, jax.numpy as jnp
import numpy as np

VOCAB = 1000000
D_MODEL = 64
CTX = 200
BATCH = 4096
SEQ = 200

def setup_inputs(seed: int = 0) -> dict:
    key = jax.random.key(seed)
    k1, k2, k3 = jax.random.split(key, 3)
    x = jax.random.randint(k1, (BATCH, SEQ), 0, VOCAB, dtype=jnp.int64) if jax.config.jax_enable_x64 else jax.random.randint(k1, (BATCH, SEQ), 0, VOCAB, dtype=jnp.int32)
    tok_emb = jax.random.normal(k2, (VOCAB, D_MODEL), dtype=jnp.float32)
    pos_emb = jax.random.normal(k3, (CTX, D_MODEL), dtype=jnp.float32)
    return {"x": x, "tok_emb": tok_emb, "pos_emb": pos_emb}

def reference(x, tok_emb, pos_emb):
    seq_len = x.shape[1]
    positions = jnp.arange(seq_len)
    tok_embeddings = jnp.take(tok_emb, x, axis=0)
    pos_embeddings = jnp.take(pos_emb, positions, axis=0)
    return tok_embeddings + pos_embeddings

if __name__ == "__main__":
    import jax
    _d = setup_inputs()
    print(jax.jit(kernel)(*tuple(_d.values())))

</pallas_src>

<mosaic_0001>
#map = affine_map<(d0, d1) -> (0, 0)>
#map1 = affine_map<(d0, d1) -> (0, 0, 0, 0, 0)>
module attributes {stable_mosaic.version = 14 : i64} {
  func.func @emb(%arg0: i32, %arg1: i32, %arg2: memref<200x4096xi32, #tpu.memory_space<hbm>>, %arg3: memref<1000000x64xf32, #tpu.memory_space<hbm>>, %arg4: memref<200x64xf32, #tpu.memory_space<hbm>>, %arg5: memref<200x8x32x8x128xf32, #tpu.memory_space<hbm>>, %arg6: memref<200x128xi32, #tpu.memory_space<vmem>>, %arg7: memref<200x64xf32, #tpu.memory_space<vmem>>, %arg8: memref<2x128x64xf32, #tpu.memory_space<vmem>>, %arg9: memref<2x8x8x129xf32, #tpu.memory_space<vmem>>, %arg10: memref<!tpu.dma_semaphore, #tpu.memory_space<semaphore_mem>>, %arg11: memref<!tpu.dma_semaphore, #tpu.memory_space<semaphore_mem>>, %arg12: memref<!tpu.dma_semaphore, #tpu.memory_space<semaphore_mem>>, %arg13: memref<!tpu.dma_semaphore, #tpu.memory_space<semaphore_mem>>) attributes {dimension_semantics = [#tpu.dimension_semantics<core_parallel>, #tpu.dimension_semantics<subcore_parallel>], iteration_bounds = array<i64: 2, 16>, scalar_prefetch = 0 : i64, scratch_operands = 8 : i64, tpu.core_type = #tpu.core_type<sc_vector_subcore>, window_params = [{transform_indices = #map}, {transform_indices = #map}, {transform_indices = #map}, {transform_indices = #map1}]} {
    %mul3A = arith.constant 2 : i32
    %mul3A_0 = arith.muli %arg1, %mul3A : i32
    %add3A = arith.addi %mul3A_0, %arg0 : i32
    %mul3A_1 = arith.constant 128 : i32
    %mul3A_2 = arith.muli %add3A, %mul3A_1 : i32
    "tpu.region"() ({
      %run_scoped3A = tpu.sem_alloc : memref<!tpu.dma_semaphore, #tpu.memory_space<semaphore_mem>>
      %dma_start3A_227 = arith.constant 0 : i32
      %dma_start3A_228 = tpu.memref_slice %arg2[%dma_start3A_227, %mul3A_2] : memref<200x4096xi32, #tpu.memory_space<hbm>> -> memref<200x128xi32, #tpu.memory_space<hbm>>
      %dma_start3A_229 = arith.constant 0 : i32
      %dma_start3A_230 = tpu.memref_slice %arg2[%dma_start3A_229, %mul3A_2] : memref<200x4096xi32, #tpu.memory_space<hbm>> -> memref<200x128xi32, #tpu.memory_space<hbm>>
      tpu.enqueue_dma source(%dma_start3A_230 : memref<200x128xi32, #tpu.memory_space<hbm>>) target(%arg6 : memref<200x128xi32, #tpu.memory_space<vmem>>) target_semaphore(%run_scoped3A : memref<!tpu.dma_semaphore, #tpu.memory_space<semaphore_mem>>)
      %dma_wait3A_231 = arith.constant 0 : i32
      %dma_wait3A_232 = tpu.memref_slice %arg2[%dma_wait3A_231, %mul3A_2] : memref<200x4096xi32, #tpu.memory_space<hbm>> -> memref<200x128xi32, #tpu.memory_space<hbm>>
      %dma_wait3A_233 = arith.constant 0 : i32
      %dma_wait3A_234 = tpu.memref_slice %arg2[%dma_wait3A_233, %mul3A_2] : memref<200x4096xi32, #tpu.memory_space<hbm>> -> memref<200x128xi32, #tpu.memory_space<hbm>>
      tpu.wait_dma2 semaphore(%run_scoped3A : memref<!tpu.dma_semaphore, #tpu.memory_space<semaphore_mem>>) src(%dma_wait3A_234 : memref<200x128xi32, #tpu.memory_space<hbm>>) dst(%arg6 : memref<200x128xi32, #tpu.memory_space<vmem>>)
      tpu.yield
    }) : () -> ()
    "tpu.region"() ({
      %run_scoped3A = tpu.sem_alloc : memref<!tpu.dma_semaphore, #tpu.memory_space<semaphore_mem>>
      tpu.enqueue_dma source(%arg4 : memref<200x64xf32, #tpu.memory_space<hbm>>) target(%arg7 : memref<200x64xf32, #tpu.memory_space<vmem>>) target_semaphore(%run_scoped3A : memref<!tpu.dma_semaphore, #tpu.memory_space<semaphore_mem>>)
      tpu.wait_dma2 semaphore(%run_scoped3A : memref<!tpu.dma_semaphore, #tpu.memory_space<semaphore_mem>>) src(%arg4 : memref<200x64xf32, #tpu.memory_space<hbm>>) dst(%arg7 : memref<200x64xf32, #tpu.memory_space<vmem>>)
      tpu.yield
    }) : () -> ()
    %iota3A = tpu.iota {dimensions = array<i32: 0>} : vector<16xi32>
    %jit3A = arith.constant 8 : i32
    %div3A = vector.broadcast %jit3A : i32 to vector<16xi32>
    %div3A_3 = arith.divsi %iota3A, %div3A : vector<16xi32>
    %sign3A = arith.constant 0 : i32
    %sign3A_4 = vector.broadcast %sign3A : i32 to vector<16xi32>
    %sign3A_5 = arith.cmpi sgt, %iota3A, %sign3A_4 : vector<16xi32>
    %sign3A_6 = arith.extui %sign3A_5 : vector<16xi1> to vector<16xi32>
    %sign3A_7 = arith.constant 0 : i32
    %sign3A_8 = vector.broadcast %sign3A_7 : i32 to vector<16xi32>
    %sign3A_9 = arith.cmpi slt, %iota3A, %sign3A_8 : vector<16xi32>
    %sign3A_10 = arith.extui %sign3A_9 : vector<16xi1> to vector<16xi32>
    %sign3A_11 = arith.subi %sign3A_6, %sign3A_10 : vector<16xi32>
    %sign3A_12 = arith.constant 0 : i32
    %sign3A_13 = arith.cmpi sgt, %jit3A, %sign3A_12 : i32
    %sign3A_14 = arith.extui %sign3A_13 : i1 to i32
    %sign3A_15 = arith.constant 0 : i32
    %sign3A_16 = arith.cmpi slt, %jit3A, %sign3A_15 : i32
    %sign3A_17 = arith.extui %sign3A_16 : i1 to i32
    %sign3A_18 = arith.subi %sign3A_14, %sign3A_17 : i32
    %ne3A = vector.broadcast %sign3A_18 : i32 to vector<16xi32>
    %ne3A_19 = arith.cmpi ne, %sign3A_11, %ne3A : vector<16xi32>
    %rem3A = vector.broadcast %jit3A : i32 to vector<16xi32>
    %rem3A_20 = arith.remsi %iota3A, %rem3A : vector<16xi32>
    %ne3A_21 = arith.constant 0 : i32
    %ne3A_22 = vector.broadcast %ne3A_21 : i32 to vector<16xi32>
    %ne3A_23 = arith.cmpi ne, %rem3A_20, %ne3A_22 : vector<16xi32>
    %and3A = arith.andi %ne3A_19, %ne3A_23 : vector<16xi1>
    %sub3A = arith.constant 1 : i32
    %sub3A_24 = vector.broadcast %sub3A : i32 to vector<16xi32>
    %sub3A_25 = arith.subi %div3A_3, %sub3A_24 : vector<16xi32>
    %select_n3A = arith.select %and3A, %sub3A_25, %div3A_3 : vector<16xi1>, vector<16xi32>
    %add3A_26 = arith.constant 0 : i32
    %add3A_27 = vector.broadcast %add3A_26 : i32 to vector<16xi32>
    %add3A_28 = arith.addi %select_n3A, %add3A_27 : vector<16xi32>
    %jit3A_29 = arith.constant 8 : i32
    %div3A_30 = vector.broadcast %jit3A_29 : i32 to vector<16xi32>
    %div3A_31 = arith.divsi %iota3A, %div3A_30 : vector<16xi32>
    %sign3A_32 = arith.constant 0 : i32
    %sign3A_33 = vector.broadcast %sign3A_32 : i32 to vector<16xi32>
    %sign3A_34 = arith.cmpi sgt, %iota3A, %sign3A_33 : vector<16xi32>
    %sign3A_35 = arith.extui %sign3A_34 : vector<16xi1> to vector<16xi32>
    %sign3A_36 = arith.constant 0 : i32
    %sign3A_37 = vector.broadcast %sign3A_36 : i32 to vector<16xi32>
    %sign3A_38 = arith.cmpi slt, %iota3A, %sign3A_37 : vector<16xi32>
    %sign3A_39 = arith.extui %sign3A_38 : vector<16xi1> to vector<16xi32>
    %sign3A_40 = arith.subi %sign3A_35, %sign3A_39 : vector<16xi32>
    %sign3A_41 = arith.constant 0 : i32
    %sign3A_42 = arith.cmpi sgt, %jit3A_29, %sign3A_41 : i32
    %sign3A_43 = arith.extui %sign3A_42 : i1 to i32
    %sign3A_44 = arith.constant 0 : i32
    %sign3A_45 = arith.cmpi slt, %jit3A_29, %sign3A_44 : i32
    %sign3A_46 = arith.extui %sign3A_45 : i1 to i32
    %sign3A_47 = arith.subi %sign3A_43, %sign3A_46 : i32
    %ne3A_48 = vector.broadcast %sign3A_47 : i32 to vector<16xi32>
    %ne3A_49 = arith.cmpi ne, %sign3A_40, %ne3A_48 : vector<16xi32>
    %rem3A_50 = vector.broadcast %jit3A_29 : i32 to vector<16xi32>
    %rem3A_51 = arith.remsi %iota3A, %rem3A_50 : vector<16xi32>
    %ne3A_52 = arith.constant 0 : i32
    %ne3A_53 = vector.broadcast %ne3A_52 : i32 to vector<16xi32>
    %ne3A_54 = arith.cmpi ne, %rem3A_51, %ne3A_53 : vector<16xi32>
    %and3A_55 = arith.andi %ne3A_49, %ne3A_54 : vector<16xi1>
    %sub3A_56 = arith.constant 1 : i32
    %sub3A_57 = vector.broadcast %sub3A_56 : i32 to vector<16xi32>
    %sub3A_58 = arith.subi %div3A_31, %sub3A_57 : vector<16xi32>
    %select_n3A_59 = arith.select %and3A_55, %sub3A_58, %div3A_31 : vector<16xi1>, vector<16xi32>
    %add3A_60 = arith.constant 2 : i32
    %add3A_61 = vector.broadcast %add3A_60 : i32 to vector<16xi32>
    %add3A_62 = arith.addi %select_n3A_59, %add3A_61 : vector<16xi32>
    %jit3A_63 = arith.constant 8 : i32
    %div3A_64 = vector.broadcast %jit3A_63 : i32 to vector<16xi32>
    %div3A_65 = arith.divsi %iota3A, %div3A_64 : vector<16xi32>
    %sign3A_66 = arith.constant 0 : i32
    %sign3A_67 = vector.broadcast %sign3A_66 : i32 to vector<16xi32>
    %sign3A_68 = arith.cmpi sgt, %iota3A, %sign3A_67 : vector<16xi32>
    %sign3A_69 = arith.extui %sign3A_68 : vector<16xi1> to vector<16xi32>
    %sign3A_70 = arith.constant 0 : i32
    %sign3A_71 = vector.broadcast %sign3A_70 : i32 to vector<16xi32>
    %sign3A_72 = arith.cmpi slt, %iota3A, %sign3A_71 : vector<16xi32>
    %sign3A_73 = arith.extui %sign3A_72 : vector<16xi1> to vector<16xi32>
    %sign3A_74 = arith.subi %sign3A_69, %sign3A_73 : vector<16xi32>
    %sign3A_75 = arith.constant 0 : i32
    %sign3A_76 = arith.cmpi sgt, %jit3A_63, %sign3A_75 : i32
    %sign3A_77 = arith.extui %sign3A_76 : i1 to i32
    %sign3A_78 = arith.constant 0 : i32
    %sign3A_79 = arith.cmpi slt, %jit3A_63, %sign3A_78 : i32
    %sign3A_80 = arith.extui %sign3A_79 : i1 to i32
    %sign3A_81 = arith.subi %sign3A_77, %sign3A_80 : i32
    %ne3A_82 = vector.broadcast %sign3A_81 : i32 to vector<16xi32>
    %ne3A_83 = arith.cmpi ne, %sign3A_74, %ne3A_82 : vector<16xi32>
    %rem3A_84 = vector.broadcast %jit3A_63 : i32 to vector<16xi32>
    %rem3A_85 = arith.remsi %iota3A, %rem3A_84 : vector<16xi32>
    %ne3A_86 = arith.constant 0 : i32
    %ne3A_87 = vector.broadcast %ne3A_86 : i32 to vector<16xi32>
    %ne3A_88 = arith.cmpi ne, %rem3A_85, %ne3A_87 : vector<16xi32>
    %and3A_89 = arith.andi %ne3A_83, %ne3A_88 : vector<16xi1>
    %sub3A_90 = arith.constant 1 : i32
    %sub3A_91 = vector.broadcast %sub3A_90 : i32 to vector<16xi32>
    %sub3A_92 = arith.subi %div3A_65, %sub3A_91 : vector<16xi32>
    %select_n3A_93 = arith.select %and3A_89, %sub3A_92, %div3A_65 : vector<16xi1>, vector<16xi32>
    %add3A_94 = arith.constant 4 : i32
    %add3A_95 = vector.broadcast %add3A_94 : i32 to vector<16xi32>
    %add3A_96 = arith.addi %select_n3A_93, %add3A_95 : vector<16xi32>
    %jit3A_97 = arith.constant 8 : i32
    %div3A_98 = vector.broadcast %jit3A_97 : i32 to vector<16xi32>
    %div3A_99 = arith.divsi %iota3A, %div3A_98 : vector<16xi32>
    %sign3A_100 = arith.constant 0 : i32
    %sign3A_101 = vector.broadcast %sign3A_100 : i32 to vector<16xi32>
    %sign3A_102 = arith.cmpi sgt, %iota3A, %sign3A_101 : vector<16xi32>
    %sign3A_103 = arith.extui %sign3A_102 : vector<16xi1> to vector<16xi32>
    %sign3A_104 = arith.constant 0 : i32
    %sign3A_105 = vector.broadcast %sign3A_104 : i32 to vector<16xi32>
    %sign3A_106 = arith.cmpi slt, %iota3A, %sign3A_105 : vector<16xi32>
    %sign3A_107 = arith.extui %sign3A_106 : vector<16xi1> to vector<16xi32>
    %sign3A_108 = arith.subi %sign3A_103, %sign3A_107 : vector<16xi32>
    %sign3A_109 = arith.constant 0 : i32
    %sign3A_110 = arith.cmpi sgt, %jit3A_97, %sign3A_109 : i32
    %sign3A_111 = arith.extui %sign3A_110 : i1 to i32
    %sign3A_112 = arith.constant 0 : i32
    %sign3A_113 = arith.cmpi slt, %jit3A_97, %sign3A_112 : i32
    %sign3A_114 = arith.extui %sign3A_113 : i1 to i32
    %sign3A_115 = arith.subi %sign3A_111, %sign3A_114 : i32
    %ne3A_116 = vector.broadcast %sign3A_115 : i32 to vector<16xi32>
    %ne3A_117 = arith.cmpi ne, %sign3A_108, %ne3A_116 : vector<16xi32>
    %rem3A_118 = vector.broadcast %jit3A_97 : i32 to vector<16xi32>
    %rem3A_119 = arith.remsi %iota3A, %rem3A_118 : vector<16xi32>
    %ne3A_120 = arith.constant 0 : i32
    %ne3A_121 = vector.broadcast %ne3A_120 : i32 to vector<16xi32>
    %ne3A_122 = arith.cmpi ne, %rem3A_119, %ne3A_121 : vector<16xi32>
    %and3A_123 = arith.andi %ne3A_117, %ne3A_122 : vector<16xi1>
    %sub3A_124 = arith.constant 1 : i32
    %sub3A_125 = vector.broadcast %sub3A_124 : i32 to vector<16xi32>
    %sub3A_126 = arith.subi %div3A_99, %sub3A_125 : vector<16xi32>
    %select_n3A_127 = arith.select %and3A_123, %sub3A_126, %div3A_99 : vector<16xi1>, vector<16xi32>
    %add3A_128 = arith.constant 6 : i32
    %add3A_129 = vector.broadcast %add3A_128 : i32 to vector<16xi32>
    %add3A_130 = arith.addi %select_n3A_127, %add3A_129 : vector<16xi32>
    %jit3A_131 = arith.constant 8 : i32
    %eq3A = arith.constant 0 : i32
    %eq3A_132 = arith.cmpi eq, %jit3A_131, %eq3A : i32
    %jit3A_133 = arith.constant 1 : i32
    %select_n3A_134 = arith.select %eq3A_132, %jit3A_133, %jit3A_131 : i32
    %rem3A_135 = vector.broadcast %select_n3A_134 : i32 to vector<16xi32>
    %rem3A_136 = arith.remsi %iota3A, %rem3A_135 : vector<16xi32>
    %ne3A_137 = arith.constant 0 : i32
    %ne3A_138 = vector.broadcast %ne3A_137 : i32 to vector<16xi32>
    %ne3A_139 = arith.cmpi ne, %rem3A_136, %ne3A_138 : vector<16xi32>
    %lt3A = arith.constant 0 : i32
    %lt3A_140 = vector.broadcast %lt3A : i32 to vector<16xi32>
    %lt3A_141 = arith.cmpi slt, %rem3A_136, %lt3A_140 : vector<16xi32>
    %lt3A_142 = arith.constant 0 : i32
    %lt3A_143 = arith.cmpi slt, %select_n3A_134, %lt3A_142 : i32
    %ne3A_144 = vector.broadcast %lt3A_143 : i1 to vector<16xi1>
    %ne3A_145 = vector.broadcast %ne3A_144 : vector<16xi1> to vector<16xi1>
    %ne3A_146 = arith.xori %lt3A_141, %ne3A_145 : vector<16xi1>
    %and3A_147 = arith.andi %ne3A_146, %ne3A_139 : vector<16xi1>
    %add3A_148 = vector.broadcast %select_n3A_134 : i32 to vector<16xi32>
    %add3A_149 = arith.addi %rem3A_136, %add3A_148 : vector<16xi32>
    %select_n3A_150 = arith.select %and3A_147, %add3A_149, %rem3A_136 : vector<16xi1>, vector<16xi32>
    %dma_start3A = arith.constant 0 : i32
    %dma_start3A_151 = arith.constant 0 : i32
    %dma_start3A_152 = arith.constant 0 : i32
    %dma_start3A_153 = arith.constant 0 : i32
    %dma_start3A_154 = tpu.memref_slice %arg8[%dma_start3A_151, %dma_start3A_152, %dma_start3A_153] : memref<2x128x64xf32, #tpu.memory_space<vmem>> -> memref<1x128x64xf32, #tpu.memory_space<vmem>>
    %dma_start3A_155 = tpu.memref_squeeze %dma_start3A_154 : memref<1x128x64xf32, #tpu.memory_space<vmem>> -> memref<128x64xf32, #tpu.memory_space<vmem>>
    %dma_start3A_156 = arith.constant 0 : i32
    %dma_start3A_157 = tpu.memref_slice %arg6[%dma_start3A, %dma_start3A_156] : memref<200x128xi32, #tpu.memory_space<vmem>> -> memref<1x128xi32, #tpu.memory_space<vmem>>
    %dma_start3A_158 = tpu.memref_squeeze %dma_start3A_157 : memref<1x128xi32, #tpu.memory_space<vmem>> -> memref<128xi32, #tpu.memory_space<vmem>>
    %dma_start3A_159 = arith.constant 0 : i32
    %dma_start3A_160 = arith.constant 0 : i32
    %dma_start3A_161 = tpu.memref_slice %arg3[%dma_start3A_159, %dma_start3A_160] : memref<1000000x64xf32, #tpu.memory_space<hbm>> -> memref<1000000x64xf32, #tpu.memory_space<hbm>>
    tpu.enqueue_indirect_dma source(%dma_start3A_161 : memref<1000000x64xf32, #tpu.memory_space<hbm>>) target(%dma_start3A_155 : memref<128x64xf32, #tpu.memory_space<vmem>>) offsets(%dma_start3A_158 : memref<128xi32, #tpu.memory_space<vmem>>) semaphore(%arg10 : memref<!tpu.dma_semaphore, #tpu.memory_space<semaphore_mem>>)
    %scan3A = arith.constant 0 : i32
    %scan3A_162 = arith.constant 100 : i32
    %scan3A_163 = arith.addi %scan3A, %scan3A_162 : i32
    %scan3A_164 = arith.constant 1 : i32
    scf.for %scan3A_227 = %scan3A to %scan3A_163 step %scan3A_164  : i32 {
      %mul3A_228 = arith.constant 2 : i32
      %mul3A_229 = arith.muli %scan3A_227, %mul3A_228 : i32
      %add3A_230 = arith.constant 0 : i32
      %add3A_231 = arith.addi %add3A_230, %mul3A_229 : i32
      %add3A_232 = arith.constant 0 : i32
      %add3A_233 = arith.addi %add3A_231, %add3A_232 : i32
      %add3A_234 = arith.constant 1 : i32
      %add3A_235 = arith.addi %add3A_233, %add3A_234 : i32
      %lt3A_236 = arith.constant 200 : i32
      %lt3A_237 = arith.cmpi slt, %add3A_235, %lt3A_236 : i32
      %convert_element_type3A = arith.extui %lt3A_237 : i1 to i32
      %cond3A = arith.constant 0 : i32
      %cond3A_238 = arith.cmpi ne, %convert_element_type3A, %cond3A : i32
      scf.if %cond3A_238 {
        %add3A_377 = arith.constant 1 : i32
        %add3A_378 = arith.addi %add3A_233, %add3A_377 : i32
        %dma_start3A_379 = arith.constant 1 : i32
        %dma_start3A_380 = arith.constant 0 : i32
        %dma_start3A_381 = arith.constant 0 : i32
        %dma_start3A_382 = tpu.memref_slice %arg8[%dma_start3A_379, %dma_start3A_380, %dma_start3A_381] : memref<2x128x64xf32, #tpu.memory_space<vmem>> -> memref<1x128x64xf32, #tpu.memory_space<vmem>>
        %dma_start3A_383 = tpu.memref_squeeze %dma_start3A_382 : memref<1x128x64xf32, #tpu.memory_space<vmem>> -> memref<128x64xf32, #tpu.memory_space<vmem>>
        %dma_start3A_384 = arith.constant 0 : i32
        %dma_start3A_385 = tpu.memref_slice %arg6[%add3A_378, %dma_start3A_384] : memref<200x128xi32, #tpu.memory_space<vmem>> -> memref<1x128xi32, #tpu.memory_space<vmem>>
        %dma_start3A_386 = tpu.memref_squeeze %dma_start3A_385 : memref<1x128xi32, #tpu.memory_space<vmem>> -> memref<128xi32, #tpu.memory_space<vmem>>
        %dma_start3A_387 = arith.constant 0 : i32
        %dma_start3A_388 = arith.constant 0 : i32
        %dma_start3A_389 = tpu.memref_slice %arg3[%dma_start3A_387, %dma_start3A_388] : memref<1000000x64xf32, #tpu.memory_space<hbm>> -> memref<1000000x64xf32, #tpu.memory_space<hbm>>
        tpu.enqueue_indirect_dma source(%dma_start3A_389 : memref<1000000x64xf32, #tpu.memory_space<hbm>>) target(%dma_start3A_383 : memref<128x64xf32, #tpu.memory_space<vmem>>) offsets(%dma_start3A_386 : memref<128xi32, #tpu.memory_space<vmem>>) semaphore(%arg11 : memref<!tpu.dma_semaphore, #tpu.memory_space<semaphore_mem>>)
      } else {
      }
      %dma_wait3A_239 = arith.constant 0 : i32
      %dma_wait3A_240 = arith.constant 0 : i32
      %dma_wait3A_241 = arith.constant 0 : i32
      %dma_wait3A_242 = tpu.memref_slice %arg8[%dma_wait3A_239, %dma_wait3A_240, %dma_wait3A_241] : memref<2x128x64xf32, #tpu.memory_space<vmem>> -> memref<1x128x64xf32, #tpu.memory_space<vmem>>
      %dma_wait3A_243 = tpu.memref_squeeze %dma_wait3A_242 : memref<1x128x64xf32, #tpu.memory_space<vmem>> -> memref<128x64xf32, #tpu.memory_space<vmem>>
      %dma_wait3A_244 = arith.constant 0 : i32
      %dma_wait3A_245 = arith.constant 0 : i32
      %dma_wait3A_246 = tpu.memref_slice %arg3[%dma_wait3A_244, %dma_wait3A_245] : memref<1000000x64xf32, #tpu.memory_space<hbm>> -> memref<128x64xf32, #tpu.memory_space<hbm>>
      %dma_wait3A_247 = arith.constant 0 : i32
      %dma_wait3A_248 = arith.constant 0 : i32
      %dma_wait3A_249 = tpu.memref_slice %arg8[%dma_wait3A_239, %dma_wait3A_247, %dma_wait3A_248] : memref<2x128x64xf32, #tpu.memory_space<vmem>> -> memref<1x128x64xf32, #tpu.memory_space<vmem>>
      %dma_wait3A_250 = tpu.memref_squeeze %dma_wait3A_249 : memref<1x128x64xf32, #tpu.memory_space<vmem>> -> memref<128x64xf32, #tpu.memory_space<vmem>>
      %dma_wait3A_251 = arith.constant 0 : i32
      %dma_wait3A_252 = arith.constant 0 : i32
      %dma_wait3A_253 = tpu.memref_slice %arg3[%dma_wait3A_251, %dma_wait3A_252] : memref<1000000x64xf32, #tpu.memory_space<hbm>> -> memref<128x64xf32, #tpu.memory_space<hbm>>
      tpu.wait_dma2 semaphore(%arg10 : memref<!tpu.dma_semaphore, #tpu.memory_space<semaphore_mem>>) src(%dma_wait3A_253 : memref<128x64xf32, #tpu.memory_space<hbm>>) dst(%dma_wait3A_250 : memref<128x64xf32, #tpu.memory_space<vmem>>)
      %ge3A = arith.constant 2 : i32
      %ge3A_254 = arith.cmpi sge, %add3A_233, %ge3A : i32
      %convert_element_type3A_255 = arith.extui %ge3A_254 : i1 to i32
      %cond3A_256 = arith.constant 0 : i32
      %cond3A_257 = arith.cmpi ne, %convert_element_type3A_255, %cond3A_256 : i32
      scf.if %cond3A_257 {
        %dma_wait3A_377 = arith.constant 0 : i32
        %dma_wait3A_378 = arith.constant 0 : i32
        %dma_wait3A_379 = arith.constant 0 : i32
        %dma_wait3A_380 = arith.constant 0 : i32
        %dma_wait3A_381 = arith.constant 0 : i32
        %dma_wait3A_382 = arith.constant 0 : i32
        %dma_wait3A_383 = tpu.memref_slice %arg9[%dma_wait3A_377, %dma_wait3A_380, %dma_wait3A_381, %dma_wait3A_382] : memref<2x8x8x129xf32, #tpu.memory_space<vmem>> -> memref<1x8x8x129xf32, #tpu.memory_space<vmem>>
        %dma_wait3A_384 = tpu.memref_squeeze %dma_wait3A_383 : memref<1x8x8x129xf32, #tpu.memory_space<vmem>> -> memref<8x8x129xf32, #tpu.memory_space<vmem>>
        %dma_wait3A_385 = arith.constant 0 : i32
        %dma_wait3A_386 = arith.constant 0 : i32
        %dma_wait3A_387 = arith.constant 0 : i32
        %dma_wait3A_388 = tpu.memref_slice %dma_wait3A_384[%dma_wait3A_385, %dma_wait3A_386, %dma_wait3A_387] : memref<8x8x129xf32, #tpu.memory_space<vmem>> -> memref<8x8x128xf32, #tpu.memory_space<vmem>>
        %dma_wait3A_389 = arith.constant 0 : i32
        %dma_wait3A_390 = arith.constant 0 : i32
        %dma_wait3A_391 = arith.constant 0 : i32
        %dma_wait3A_392 = tpu.memref_slice %arg5[%dma_wait3A_378, %dma_wait3A_389, %dma_wait3A_379, %dma_wait3A_390, %dma_wait3A_391] : memref<200x8x32x8x128xf32, #tpu.memory_space<hbm>> -> memref<1x8x1x8x128xf32, #tpu.memory_space<hbm>>
        %dma_wait3A_393 = tpu.memref_squeeze %dma_wait3A_392 : memref<1x8x1x8x128xf32, #tpu.memory_space<hbm>> -> memref<8x8x128xf32, #tpu.memory_space<hbm>>
        %dma_wait3A_394 = arith.constant 0 : i32
        %dma_wait3A_395 = arith.constant 0 : i32
        %dma_wait3A_396 = arith.constant 0 : i32
        %dma_wait3A_397 = tpu.memref_slice %arg5[%dma_wait3A_378, %dma_wait3A_394, %dma_wait3A_379, %dma_wait3A_395, %dma_wait3A_396] : memref<200x8x32x8x128xf32, #tpu.memory_space<hbm>> -> memref<1x8x1x8x128xf32, #tpu.memory_space<hbm>>
        %dma_wait3A_398 = tpu.memref_squeeze %dma_wait3A_397 : memref<1x8x1x8x128xf32, #tpu.memory_space<hbm>> -> memref<8x8x128xf32, #tpu.memory_space<hbm>>
        %dma_wait3A_399 = arith.constant 0 : i32
        %dma_wait3A_400 = arith.constant 0 : i32
        %dma_wait3A_401 = arith.constant 0 : i32
        %dma_wait3A_402 = tpu.memref_slice %arg9[%dma_wait3A_377, %dma_wait3A_399, %dma_wait3A_400, %dma_wait3A_401] : memref<2x8x8x129xf32, #tpu.memory_space<vmem>> -> memref<1x8x8x129xf32, #tpu.memory_space<vmem>>
        %dma_wait3A_403 = tpu.memref_squeeze %dma_wait3A_402 : memref<1x8x8x129xf32, #tpu.memory_space<vmem>> -> memref<8x8x129xf32, #tpu.memory_space<vmem>>
        %dma_wait3A_404 = arith.constant 0 : i32
        %dma_wait3A_405 = arith.constant 0 : i32
        %dma_wait3A_406 = arith.constant 0 : i32
        %dma_wait3A_407 = tpu.memref_slice %dma_wait3A_403[%dma_wait3A_404, %dma_wait3A_405, %dma_wait3A_406] : memref<8x8x129xf32, #tpu.memory_space<vmem>> -> memref<8x8x128xf32, #tpu.memory_space<vmem>>
        tpu.wait_dma2 semaphore(%arg12 : memref<!tpu.dma_semaphore, #tpu.memory_space<semaphore_mem>>) src(%dma_wait3A_407 : memref<8x8x128xf32, #tpu.memory_space<vmem>>) dst(%dma_wait3A_398 : memref<8x8x128xf32, #tpu.memory_space<hbm>>)
      } else {
      }
      %get3A = arith.index_cast %add3A_233 : i32 to index
      %get3A_258 = arith.constant 0 : index
      %get3A_259 = tpu.vector_load %arg7[%get3A, %get3A_258] {strides = array<i32>} : memref<200x64xf32, #tpu.memory_space<vmem>>, vector<16xf32>,
      %get3A_260 = arith.index_cast %add3A_233 : i32 to index
      %get3A_261 = arith.constant 16 : index
      %get3A_262 = tpu.vector_load %arg7[%get3A_260, %get3A_261] {strides = array<i32>} : memref<200x64xf32, #tpu.memory_space<vmem>>, vector<16xf32>,
      %get3A_263 = arith.index_cast %add3A_233 : i32 to index
      %get3A_264 = arith.constant 32 : index
      %get3A_265 = tpu.vector_load %arg7[%get3A_263, %get3A_264] {strides = array<i32>} : memref<200x64xf32, #tpu.memory_space<vmem>>, vector<16xf32>,
      %get3A_266 = arith.index_cast %add3A_233 : i32 to index
      %get3A_267 = arith.constant 48 : index
      %get3A_268 = tpu.vector_load %arg7[%get3A_266, %get3A_267] {strides = array<i32>} : memref<200x64xf32, #tpu.memory_space<vmem>>, vector<16xf32>,
      %parallel_loop3A = arith.constant 0 : i32
      %parallel_loop3A_269 = arith.constant 128 : i32
      %parallel_loop3A_270 = arith.constant 1 : i32
      %parallel_loop3A_271 = arith.constant 0 : i32
      %parallel_loop3A_272 = arith.constant 0 : i32
      scf.for %parallel_loop3A_377 = %parallel_loop3A to %parallel_loop3A_269 step %parallel_loop3A_270  : i32 {
        %parallel_loop3A_378 = vector.broadcast %parallel_loop3A_377 : i32 to vector<16xi32>
        %parallel_loop3A_379 = arith.constant 0 : i32
        %parallel_loop3A_380 = arith.constant 0 : i32
        %parallel_loop3A_381 = tpu.memref_slice %arg8[%parallel_loop3A_271, %parallel_loop3A_379, %parallel_loop3A_380] : memref<2x128x64xf32, #tpu.memory_space<vmem>> -> memref<1x128x64xf32, #tpu.memory_space<vmem>>
        %parallel_loop3A_382 = tpu.memref_squeeze %parallel_loop3A_381 : memref<1x128x64xf32, #tpu.memory_space<vmem>> -> memref<128x64xf32, #tpu.memory_space<vmem>>
        %parallel_loop3A_383 = arith.index_cast %parallel_loop3A_377 : i32 to index
        %parallel_loop3A_384 = arith.constant 0 : index
        %parallel_loop3A_385 = tpu.vector_load %parallel_loop3A_382[%parallel_loop3A_383, %parallel_loop3A_384] {strides = array<i32>} : memref<128x64xf32, #tpu.memory_space<vmem>>, vector<16xf32>,
        %parallel_loop3A_386 = arith.addf %parallel_loop3A_385, %get3A_259 : vector<16xf32>
        %parallel_loop3A_387 = arith.constant 0 : i32
        %parallel_loop3A_388 = arith.constant 0 : i32
        %parallel_loop3A_389 = arith.constant 0 : i32
        %parallel_loop3A_390 = tpu.memref_slice %arg9[%parallel_loop3A_272, %parallel_loop3A_387, %parallel_loop3A_388, %parallel_loop3A_389] : memref<2x8x8x129xf32, #tpu.memory_space<vmem>> -> memref<1x8x8x129xf32, #tpu.memory_space<vmem>>
        %parallel_loop3A_391 = tpu.memref_squeeze %parallel_loop3A_390 : memref<1x8x8x129xf32, #tpu.memory_space<vmem>> -> memref<8x8x129xf32, #tpu.memory_space<vmem>>
        tpu.vector_store_idx %parallel_loop3A_391[%add3A_28, %select_n3A_150, %parallel_loop3A_378], %parallel_loop3A_386 : memref<8x8x129xf32, #tpu.memory_space<vmem>>[vector<16xi32>, vector<16xi32>, vector<16xi32>], vector<16xf32>,
        %parallel_loop3A_392 = arith.constant 0 : i32
        %parallel_loop3A_393 = arith.constant 0 : i32
        %parallel_loop3A_394 = tpu.memref_slice %arg8[%parallel_loop3A_271, %parallel_loop3A_392, %parallel_loop3A_393] : memref<2x128x64xf32, #tpu.memory_space<vmem>> -> memref<1x128x64xf32, #tpu.memory_space<vmem>>
        %parallel_loop3A_395 = tpu.memref_squeeze %parallel_loop3A_394 : memref<1x128x64xf32, #tpu.memory_space<vmem>> -> memref<128x64xf32, #tpu.memory_space<vmem>>
        %parallel_loop3A_396 = arith.index_cast %parallel_loop3A_377 : i32 to index
        %parallel_loop3A_397 = arith.constant 16 : index
        %parallel_loop3A_398 = tpu.vector_load %parallel_loop3A_395[%parallel_loop3A_396, %parallel_loop3A_397] {strides = array<i32>} : memref<128x64xf32, #tpu.memory_space<vmem>>, vector<16xf32>,
        %parallel_loop3A_399 = arith.addf %parallel_loop3A_398, %get3A_262 : vector<16xf32>
        %parallel_loop3A_400 = arith.constant 0 : i32
        %parallel_loop3A_401 = arith.constant 0 : i32
        %parallel_loop3A_402 = arith.constant 0 : i32
        %parallel_loop3A_403 = tpu.memref_slice %arg9[%parallel_loop3A_272, %parallel_loop3A_400, %parallel_loop3A_401, %parallel_loop3A_402] : memref<2x8x8x129xf32, #tpu.memory_space<vmem>> -> memref<1x8x8x129xf32, #tpu.memory_space<vmem>>
        %parallel_loop3A_404 = tpu.memref_squeeze %parallel_loop3A_403 : memref<1x8x8x129xf32, #tpu.memory_space<vmem>> -> memref<8x8x129xf32, #tpu.memory_space<vmem>>
        tpu.vector_store_idx %parallel_loop3A_404[%add3A_62, %select_n3A_150, %parallel_loop3A_378], %parallel_loop3A_399 : memref<8x8x129xf32, #tpu.memory_space<vmem>>[vector<16xi32>, vector<16xi32>, vector<16xi32>], vector<16xf32>,
        %parallel_loop3A_405 = arith.constant 0 : i32
        %parallel_loop3A_406 = arith.constant 0 : i32
        %parallel_loop3A_407 = tpu.memref_slice %arg8[%parallel_loop3A_271, %parallel_loop3A_405, %parallel_loop3A_406] : memref<2x128x64xf32, #tpu.memory_space<vmem>> -> memref<1x128x64xf32, #tpu.memory_space<vmem>>
        %parallel_loop3A_408 = tpu.memref_squeeze %parallel_loop3A_407 : memref<1x128x64xf32, #tpu.memory_space<vmem>> -> memref<128x64xf32, #tpu.memory_space<vmem>>
        %parallel_loop3A_409 = arith.index_cast %parallel_loop3A_377 : i32 to index
        %parallel_loop3A_410 = arith.constant 32 : index
        %parallel_loop3A_411 = tpu.vector_load %parallel_loop3A_408[%parallel_loop3A_409, %parallel_loop3A_410] {strides = array<i32>} : memref<128x64xf32, #tpu.memory_space<vmem>>, vector<16xf32>,
        %parallel_loop3A_412 = arith.addf %parallel_loop3A_411, %get3A_265 : vector<16xf32>
        %parallel_loop3A_413 = arith.constant 0 : i32
        %parallel_loop3A_414 = arith.constant 0 : i32
        %parallel_loop3A_415 = arith.constant 0 : i32
        %parallel_loop3A_416 = tpu.memref_slice %arg9[%parallel_loop3A_272, %parallel_loop3A_413, %parallel_loop3A_414, %parallel_loop3A_415] : memref<2x8x8x129xf32, #tpu.memory_space<vmem>> -> memref<1x8x8x129xf32, #tpu.memory_space<vmem>>
        %parallel_loop3A_417 = tpu.memref_squeeze %parallel_loop3A_416 : memref<1x8x8x129xf32, #tpu.memory_space<vmem>> -> memref<8x8x129xf32, #tpu.memory_space<vmem>>
        tpu.vector_store_idx %parallel_loop3A_417[%add3A_96, %select_n3A_150, %parallel_loop3A_378], %parallel_loop3A_412 : memref<8x8x129xf32, #tpu.memory_space<vmem>>[vector<16xi32>, vector<16xi32>, vector<16xi32>], vector<16xf32>,
        %parallel_loop3A_418 = arith.constant 0 : i32
        %parallel_loop3A_419 = arith.constant 0 : i32
        %parallel_loop3A_420 = tpu.memref_slice %arg8[%parallel_loop3A_271, %parallel_loop3A_418, %parallel_loop3A_419] : memref<2x128x64xf32, #tpu.memory_space<vmem>> -> memref<1x128x64xf32, #tpu.memory_space<vmem>>
        %parallel_loop3A_421 = tpu.memref_squeeze %parallel_loop3A_420 : memref<1x128x64xf32, #tpu.memory_space<vmem>> -> memref<128x64xf32, #tpu.memory_space<vmem>>
        %parallel_loop3A_422 = arith.index_cast %parallel_loop3A_377 : i32 to index
        %parallel_loop3A_423 = arith.constant 48 : index
        %parallel_loop3A_424 = tpu.vector_load %parallel_loop3A_421[%parallel_loop3A_422, %parallel_loop3A_423] {strides = array<i32>} : memref<128x64xf32, #tpu.memory_space<vmem>>, vector<16xf32>,
        %parallel_loop3A_425 = arith.addf %parallel_loop3A_424, %get3A_268 : vector<16xf32>
        %parallel_loop3A_426 = arith.constant 0 : i32
        %parallel_loop3A_427 = arith.constant 0 : i32
        %parallel_loop3A_428 = arith.constant 0 : i32
        %parallel_loop3A_429 = tpu.memref_slice %arg9[%parallel_loop3A_272, %parallel_loop3A_426, %parallel_loop3A_427, %parallel_loop3A_428] : memref<2x8x8x129xf32, #tpu.memory_space<vmem>> -> memref<1x8x8x129xf32, #tpu.memory_space<vmem>>
        %parallel_loop3A_430 = tpu.memref_squeeze %parallel_loop3A_429 : memref<1x8x8x129xf32, #tpu.memory_space<vmem>> -> memref<8x8x129xf32, #tpu.memory_space<vmem>>
        tpu.vector_store_idx %parallel_loop3A_430[%add3A_130, %select_n3A_150, %parallel_loop3A_378], %parallel_loop3A_425 : memref<8x8x129xf32, #tpu.memory_space<vmem>>[vector<16xi32>, vector<16xi32>, vector<16xi32>], vector<16xf32>,
      } {sc.loop_unroll_factor = 2 : i64, sc.parallel_access}
      %dma_start3A_273 = arith.constant 0 : i32
      %dma_start3A_274 = arith.constant 0 : i32
      %dma_start3A_275 = arith.constant 0 : i32
      %dma_start3A_276 = arith.constant 0 : i32
      %dma_start3A_277 = tpu.memref_slice %arg9[%dma_start3A_273, %dma_start3A_274, %dma_start3A_275, %dma_start3A_276] : memref<2x8x8x129xf32, #tpu.memory_space<vmem>> -> memref<1x8x8x129xf32, #tpu.memory_space<vmem>>
      %dma_start3A_278 = tpu.memref_squeeze %dma_start3A_277 : memref<1x8x8x129xf32, #tpu.memory_space<vmem>> -> memref<8x8x129xf32, #tpu.memory_space<vmem>>
      %dma_start3A_279 = arith.constant 0 : i32
      %dma_start3A_280 = arith.constant 0 : i32
      %dma_start3A_281 = arith.constant 0 : i32
      %dma_start3A_282 = tpu.memref_slice %dma_start3A_278[%dma_start3A_279, %dma_start3A_280, %dma_start3A_281] : memref<8x8x129xf32, #tpu.memory_space<vmem>> -> memref<8x8x128xf32, #tpu.memory_space<vmem>>
      %dma_start3A_283 = arith.constant 0 : i32
      %dma_start3A_284 = arith.constant 0 : i32
      %dma_start3A_285 = arith.constant 0 : i32
      %dma_start3A_286 = tpu.memref_slice %arg5[%add3A_233, %dma_start3A_283, %add3A, %dma_start3A_284, %dma_start3A_285] : memref<200x8x32x8x128xf32, #tpu.memory_space<hbm>> -> memref<1x8x1x8x128xf32, #tpu.memory_space<hbm>>
      %dma_start3A_287 = tpu.memref_squeeze %dma_start3A_286 : memref<1x8x1x8x128xf32, #tpu.memory_space<hbm>> -> memref<8x8x128xf32, #tpu.memory_space<hbm>>
      %dma_start3A_288 = arith.constant 0 : i32
      %dma_start3A_289 = arith.constant 0 : i32
      %dma_start3A_290 = arith.constant 0 : i32
      %dma_start3A_291 = tpu.memref_slice %arg5[%add3A_233, %dma_start3A_288, %add3A, %dma_start3A_289, %dma_start3A_290] : memref<200x8x32x8x128xf32, #tpu.memory_space<hbm>> -> memref<1x8x1x8x128xf32, #tpu.memory_space<hbm>>
      %dma_start3A_292 = tpu.memref_squeeze %dma_start3A_291 : memref<1x8x1x8x128xf32, #tpu.memory_space<hbm>> -> memref<8x8x128xf32, #tpu.memory_space<hbm>>
      %dma_start3A_293 = arith.constant 0 : i32
      %dma_start3A_294 = arith.constant 0 : i32
      %dma_start3A_295 = arith.constant 0 : i32
      %dma_start3A_296 = tpu.memref_slice %arg9[%dma_start3A_273, %dma_start3A_293, %dma_start3A_294, %dma_start3A_295] : memref<2x8x8x129xf32, #tpu.memory_space<vmem>> -> memref<1x8x8x129xf32, #tpu.memory_space<vmem>>
      %dma_start3A_297 = tpu.memref_squeeze %dma_start3A_296 : memref<1x8x8x129xf32, #tpu.memory_space<vmem>> -> memref<8x8x129xf32, #tpu.memory_space<vmem>>
      %dma_start3A_298 = arith.constant 0 : i32
      %dma_start3A_299 = arith.constant 0 : i32
      %dma_start3A_300 = arith.constant 0 : i32
      %dma_start3A_301 = tpu.memref_slice %dma_start3A_297[%dma_start3A_298, %dma_start3A_299, %dma_start3A_300] : memref<8x8x129xf32, #tpu.memory_space<vmem>> -> memref<8x8x128xf32, #tpu.memory_space<vmem>>
      tpu.enqueue_dma source(%dma_start3A_301 : memref<8x8x128xf32, #tpu.memory_space<vmem>>) target(%dma_start3A_292 : memref<8x8x128xf32, #tpu.memory_space<hbm>>) target_semaphore(%arg12 : memref<!tpu.dma_semaphore, #tpu.memory_space<semaphore_mem>>)
      %add3A_302 = arith.constant 1 : i32
      %add3A_303 = arith.addi %add3A_231, %add3A_302 : i32
      %add3A_304 = arith.constant 1 : i32
      %add3A_305 = arith.addi %add3A_303, %add3A_304 : i32
      %lt3A_306 = arith.constant 200 : i32
      %lt3A_307 = arith.cmpi slt, %add3A_305, %lt3A_306 : i32
      %convert_element_type3A_308 = arith.extui %lt3A_307 : i1 to i32
      %cond3A_309 = arith.constant 0 : i32
      %cond3A_310 = arith.cmpi ne, %convert_element_type3A_308, %cond3A_309 : i32
      scf.if %cond3A_310 {
        %add3A_377 = arith.constant 1 : i32
        %add3A_378 = arith.addi %add3A_303, %add3A_377 : i32
        %dma_start3A_379 = arith.constant 0 : i32
        %dma_start3A_380 = arith.constant 0 : i32
        %dma_start3A_381 = arith.constant 0 : i32
        %dma_start3A_382 = tpu.memref_slice %arg8[%dma_start3A_379, %dma_start3A_380, %dma_start3A_381] : memref<2x128x64xf32, #tpu.memory_space<vmem>> -> memref<1x128x64xf32, #tpu.memory_space<vmem>>
        %dma_start3A_383 = tpu.memref_squeeze %dma_start3A_382 : memref<1x128x64xf32, #tpu.memory_space<vmem>> -> memref<128x64xf32, #tpu.memory_space<vmem>>
        %dma_start3A_384 = arith.constant 0 : i32
        %dma_start3A_385 = tpu.memref_slice %arg6[%add3A_378, %dma_start3A_384] : memref<200x128xi32, #tpu.memory_space<vmem>> -> memref<1x128xi32, #tpu.memory_space<vmem>>
        %dma_start3A_386 = tpu.memref_squeeze %dma_start3A_385 : memref<1x128xi32, #tpu.memory_space<vmem>> -> memref<128xi32, #tpu.memory_space<vmem>>
        %dma_start3A_387 = arith.constant 0 : i32
        %dma_start3A_388 = arith.constant 0 : i32
        %dma_start3A_389 = tpu.memref_slice %arg3[%dma_start3A_387, %dma_start3A_388] : memref<1000000x64xf32, #tpu.memory_space<hbm>> -> memref<1000000x64xf32, #tpu.memory_space<hbm>>
        tpu.enqueue_indirect_dma source(%dma_start3A_389 : memref<1000000x64xf32, #tpu.memory_space<hbm>>) target(%dma_start3A_383 : memref<128x64xf32, #tpu.memory_space<vmem>>) offsets(%dma_start3A_386 : memref<128xi32, #tpu.memory_space<vmem>>) semaphore(%arg10 : memref<!tpu.dma_semaphore, #tpu.memory_space<semaphore_mem>>)
      } else {
      }
      %dma_wait3A_311 = arith.constant 1 : i32
      %dma_wait3A_312 = arith.constant 0 : i32
      %dma_wait3A_313 = arith.constant 0 : i32
      %dma_wait3A_314 = tpu.memref_slice %arg8[%dma_wait3A_311, %dma_wait3A_312, %dma_wait3A_313] : memref<2x128x64xf32, #tpu.memory_space<vmem>> -> memref<1x128x64xf32, #tpu.memory_space<vmem>>
      %dma_wait3A_315 = tpu.memref_squeeze %dma_wait3A_314 : memref<1x128x64xf32, #tpu.memory_space<vmem>> -> memref<128x64xf32, #tpu.memory_space<vmem>>
      %dma_wait3A_316 = arith.constant 0 : i32
      %dma_wait3A_317 = arith.constant 0 : i32
      %dma_wait3A_318 = tpu.memref_slice %arg3[%dma_wait3A_316, %dma_wait3A_317] : memref<1000000x64xf32, #tpu.memory_space<hbm>> -> memref<128x64xf32, #tpu.memory_space<hbm>>
      %dma_wait3A_319 = arith.constant 0 : i32
      %dma_wait3A_320 = arith.constant 0 : i32
      %dma_wait3A_321 = tpu.memref_slice %arg8[%dma_wait3A_311, %dma_wait3A_319, %dma_wait3A_320] : memref<2x128x64xf32, #tpu.memory_space<vmem>> -> memref<1x128x64xf32, #tpu.memory_space<vmem>>
      %dma_wait3A_322 = tpu.memref_squeeze %dma_wait3A_321 : memref<1x128x64xf32, #tpu.memory_space<vmem>> -> memref<128x64xf32, #tpu.memory_space<vmem>>
      %dma_wait3A_323 = arith.constant 0 : i32
      %dma_wait3A_324 = arith.constant 0 : i32
      %dma_wait3A_325 = tpu.memref_slice %arg3[%dma_wait3A_323, %dma_wait3A_324] : memref<1000000x64xf32, #tpu.memory_space<hbm>> -> memref<128x64xf32, #tpu.memory_space<hbm>>
      tpu.wait_dma2 semaphore(%arg11 : memref<!tpu.dma_semaphore, #tpu.memory_space<semaphore_mem>>) src(%dma_wait3A_325 : memref<128x64xf32, #tpu.memory_space<hbm>>) dst(%dma_wait3A_322 : memref<128x64xf32, #tpu.memory_space<vmem>>)
      %ge3A_326 = arith.constant 2 : i32
      %ge3A_327 = arith.cmpi sge, %add3A_303, %ge3A_326 : i32
      %convert_element_type3A_328 = arith.extui %ge3A_327 : i1 to i32
      %cond3A_329 = arith.constant 0 : i32
      %cond3A_330 = arith.cmpi ne, %convert_element_type3A_328, %cond3A_329 : i32
      scf.if %cond3A_330 {
        %dma_wait3A_377 = arith.constant 1 : i32
        %dma_wait3A_378 = arith.constant 0 : i32
        %dma_wait3A_379 = arith.constant 0 : i32
        %dma_wait3A_380 = arith.constant 0 : i32
        %dma_wait3A_381 = arith.constant 0 : i32
        %dma_wait3A_382 = arith.constant 0 : i32
        %dma_wait3A_383 = tpu.memref_slice %arg9[%dma_wait3A_377, %dma_wait3A_380, %dma_wait3A_381, %dma_wait3A_382] : memref<2x8x8x129xf32, #tpu.memory_space<vmem>> -> memref<1x8x8x129xf32, #tpu.memory_space<vmem>>
        %dma_wait3A_384 = tpu.memref_squeeze %dma_wait3A_383 : memref<1x8x8x129xf32, #tpu.memory_space<vmem>> -> memref<8x8x129xf32, #tpu.memory_space<vmem>>
        %dma_wait3A_385 = arith.constant 0 : i32
        %dma_wait3A_386 = arith.constant 0 : i32
        %dma_wait3A_387 = arith.constant 0 : i32
        %dma_wait3A_388 = tpu.memref_slice %dma_wait3A_384[%dma_wait3A_385, %dma_wait3A_386, %dma_wait3A_387] : memref<8x8x129xf32, #tpu.memory_space<vmem>> -> memref<8x8x128xf32, #tpu.memory_space<vmem>>
        %dma_wait3A_389 = arith.constant 0 : i32
        %dma_wait3A_390 = arith.constant 0 : i32
        %dma_wait3A_391 = arith.constant 0 : i32
        %dma_wait3A_392 = tpu.memref_slice %arg5[%dma_wait3A_378, %dma_wait3A_389, %dma_wait3A_379, %dma_wait3A_390, %dma_wait3A_391] : memref<200x8x32x8x128xf32, #tpu.memory_space<hbm>> -> memref<1x8x1x8x128xf32, #tpu.memory_space<hbm>>
        %dma_wait3A_393 = tpu.memref_squeeze %dma_wait3A_392 : memref<1x8x1x8x128xf32, #tpu.memory_space<hbm>> -> memref<8x8x128xf32, #tpu.memory_space<hbm>>
        %dma_wait3A_394 = arith.constant 0 : i32
        %dma_wait3A_395 = arith.constant 0 : i32
        %dma_wait3A_396 = arith.constant 0 : i32
        %dma_wait3A_397 = tpu.memref_slice %arg5[%dma_wait3A_378, %dma_wait3A_394, %dma_wait3A_379, %dma_wait3A_395, %dma_wait3A_396] : memref<200x8x32x8x128xf32, #tpu.memory_space<hbm>> -> memref<1x8x1x8x128xf32, #tpu.memory_space<hbm>>
        %dma_wait3A_398 = tpu.memref_squeeze %dma_wait3A_397 : memref<1x8x1x8x128xf32, #tpu.memory_space<hbm>> -> memref<8x8x128xf32, #tpu.memory_space<hbm>>
        %dma_wait3A_399 = arith.constant 0 : i32
        %dma_wait3A_400 = arith.constant 0 : i32
        %dma_wait3A_401 = arith.constant 0 : i32
        %dma_wait3A_402 = tpu.memref_slice %arg9[%dma_wait3A_377, %dma_wait3A_399, %dma_wait3A_400, %dma_wait3A_401] : memref<2x8x8x129xf32, #tpu.memory_space<vmem>> -> memref<1x8x8x129xf32, #tpu.memory_space<vmem>>
        %dma_wait3A_403 = tpu.memref_squeeze %dma_wait3A_402 : memref<1x8x8x129xf32, #tpu.memory_space<vmem>> -> memref<8x8x129xf32, #tpu.memory_space<vmem>>
        %dma_wait3A_404 = arith.constant 0 : i32
        %dma_wait3A_405 = arith.constant 0 : i32
        %dma_wait3A_406 = arith.constant 0 : i32
        %dma_wait3A_407 = tpu.memref_slice %dma_wait3A_403[%dma_wait3A_404, %dma_wait3A_405, %dma_wait3A_406] : memref<8x8x129xf32, #tpu.memory_space<vmem>> -> memref<8x8x128xf32, #tpu.memory_space<vmem>>
        tpu.wait_dma2 semaphore(%arg13 : memref<!tpu.dma_semaphore, #tpu.memory_space<semaphore_mem>>) src(%dma_wait3A_407 : memref<8x8x128xf32, #tpu.memory_space<vmem>>) dst(%dma_wait3A_398 : memref<8x8x128xf32, #tpu.memory_space<hbm>>)
      } else {
      }
      %get3A_331 = arith.index_cast %add3A_303 : i32 to index
      %get3A_332 = arith.constant 0 : index
      %get3A_333 = tpu.vector_load %arg7[%get3A_331, %get3A_332] {strides = array<i32>} : memref<200x64xf32, #tpu.memory_space<vmem>>, vector<16xf32>,
      %get3A_334 = arith.index_cast %add3A_303 : i32 to index
      %get3A_335 = arith.constant 16 : index
      %get3A_336 = tpu.vector_load %arg7[%get3A_334, %get3A_335] {strides = array<i32>} : memref<200x64xf32, #tpu.memory_space<vmem>>, vector<16xf32>,
      %get3A_337 = arith.index_cast %add3A_303 : i32 to index
      %get3A_338 = arith.constant 32 : index
      %get3A_339 = tpu.vector_load %arg7[%get3A_337, %get3A_338] {strides = array<i32>} : memref<200x64xf32, #tpu.memory_space<vmem>>, vector<16xf32>,
      %get3A_340 = arith.index_cast %add3A_303 : i32 to index
      %get3A_341 = arith.constant 48 : index
      %get3A_342 = tpu.vector_load %arg7[%get3A_340, %get3A_341] {strides = array<i32>} : memref<200x64xf32, #tpu.memory_space<vmem>>, vector<16xf32>,
      %parallel_loop3A_343 = arith.constant 0 : i32
      %parallel_loop3A_344 = arith.constant 128 : i32
      %parallel_loop3A_345 = arith.constant 1 : i32
      %parallel_loop3A_346 = arith.constant 1 : i32
      %parallel_loop3A_347 = arith.constant 1 : i32
      scf.for %parallel_loop3A_377 = %parallel_loop3A_343 to %parallel_loop3A_344 step %parallel_loop3A_345  : i32 {
        %parallel_loop3A_378 = vector.broadcast %parallel_loop3A_377 : i32 to vector<16xi32>
        %parallel_loop3A_379 = arith.constant 0 : i32
        %parallel_loop3A_380 = arith.constant 0 : i32
        %parallel_loop3A_381 = tpu.memref_slice %arg8[%parallel_loop3A_346, %parallel_loop3A_379, %parallel_loop3A_380] : memref<2x128x64xf32, #tpu.memory_space<vmem>> -> memref<1x128x64xf32, #tpu.memory_space<vmem>>
        %parallel_loop3A_382 = tpu.memref_squeeze %parallel_loop3A_381 : memref<1x128x64xf32, #tpu.memory_space<vmem>> -> memref<128x64xf32, #tpu.memory_space<vmem>>
        %parallel_loop3A_383 = arith.index_cast %parallel_loop3A_377 : i32 to index
        %parallel_loop3A_384 = arith.constant 0 : index
        %parallel_loop3A_385 = tpu.vector_load %parallel_loop3A_382[%parallel_loop3A_383, %parallel_loop3A_384] {strides = array<i32>} : memref<128x64xf32, #tpu.memory_space<vmem>>, vector<16xf32>,
        %parallel_loop3A_386 = arith.addf %parallel_loop3A_385, %get3A_333 : vector<16xf32>
        %parallel_loop3A_387 = arith.constant 0 : i32
        %parallel_loop3A_388 = arith.constant 0 : i32
        %parallel_loop3A_389 = arith.constant 0 : i32
        %parallel_loop3A_390 = tpu.memref_slice %arg9[%parallel_loop3A_347, %parallel_loop3A_387, %parallel_loop3A_388, %parallel_loop3A_389] : memref<2x8x8x129xf32, #tpu.memory_space<vmem>> -> memref<1x8x8x129xf32, #tpu.memory_space<vmem>>
        %parallel_loop3A_391 = tpu.memref_squeeze %parallel_loop3A_390 : memref<1x8x8x129xf32, #tpu.memory_space<vmem>> -> memref<8x8x129xf32, #tpu.memory_space<vmem>>
        tpu.vector_store_idx %parallel_loop3A_391[%add3A_28, %select_n3A_150, %parallel_loop3A_378], %parallel_loop3A_386 : memref<8x8x129xf32, #tpu.memory_space<vmem>>[vector<16xi32>, vector<16xi32>, vector<16xi32>], vector<16xf32>,
        %parallel_loop3A_392 = arith.constant 0 : i32
        %parallel_loop3A_393 = arith.constant 0 : i32
        %parallel_loop3A_394 = tpu.memref_slice %arg8[%parallel_loop3A_346, %parallel_loop3A_392, %parallel_loop3A_393] : memref<2x128x64xf32, #tpu.memory_space<vmem>> -> memref<1x128x64xf32, #tpu.memory_space<vmem>>
        %parallel_loop3A_395 = tpu.memref_squeeze %parallel_loop3A_394 : memref<1x128x64xf32, #tpu.memory_space<vmem>> -> memref<128x64xf32, #tpu.memory_space<vmem>>
        %parallel_loop3A_396 = arith.index_cast %parallel_loop3A_377 : i32 to index
        %parallel_loop3A_397 = arith.constant 16 : index
        %parallel_loop3A_398 = tpu.vector_load %parallel_loop3A_395[%parallel_loop3A_396, %parallel_loop3A_397] {strides = array<i32>} : memref<128x64xf32, #tpu.memory_space<vmem>>, vector<16xf32>,
        %parallel_loop3A_399 = arith.addf %parallel_loop3A_398, %get3A_336 : vector<16xf32>
        %parallel_loop3A_400 = arith.constant 0 : i32
        %parallel_loop3A_401 = arith.constant 0 : i32
        %parallel_loop3A_402 = arith.constant 0 : i32
        %parallel_loop3A_403 = tpu.memref_slice %arg9[%parallel_loop3A_347, %parallel_loop3A_400, %parallel_loop3A_401, %parallel_loop3A_402] : memref<2x8x8x129xf32, #tpu.memory_space<vmem>> -> memref<1x8x8x129xf32, #tpu.memory_space<vmem>>
        %parallel_loop3A_404 = tpu.memref_squeeze %parallel_loop3A_403 : memref<1x8x8x129xf32, #tpu.memory_space<vmem>> -> memref<8x8x129xf32, #tpu.memory_space<vmem>>
        tpu.vector_store_idx %parallel_loop3A_404[%add3A_62, %select_n3A_150, %parallel_loop3A_378], %parallel_loop3A_399 : memref<8x8x129xf32, #tpu.memory_space<vmem>>[vector<16xi32>, vector<16xi32>, vector<16xi32>], vector<16xf32>,
        %parallel_loop3A_405 = arith.constant 0 : i32
        %parallel_loop3A_406 = arith.constant 0 : i32
        %parallel_loop3A_407 = tpu.memref_slice %arg8[%parallel_loop3A_346, %parallel_loop3A_405, %parallel_loop3A_406] : memref<2x128x64xf32, #tpu.memory_space<vmem>> -> memref<1x128x64xf32, #tpu.memory_space<vmem>>
        %parallel_loop3A_408 = tpu.memref_squeeze %parallel_loop3A_407 : memref<1x128x64xf32, #tpu.memory_space<vmem>> -> memref<128x64xf32, #tpu.memory_space<vmem>>
        %parallel_loop3A_409 = arith.index_cast %parallel_loop3A_377 : i32 to index
        %parallel_loop3A_410 = arith.constant 32 : index
        %parallel_loop3A_411 = tpu.vector_load %parallel_loop3A_408[%parallel_loop3A_409, %parallel_loop3A_410] {strides = array<i32>} : memref<128x64xf32, #tpu.memory_space<vmem>>, vector<16xf32>,
        %parallel_loop3A_412 = arith.addf %parallel_loop3A_411, %get3A_339 : vector<16xf32>
        %parallel_loop3A_413 = arith.constant 0 : i32
        %parallel_loop3A_414 = arith.constant 0 : i32
        %parallel_loop3A_415 = arith.constant 0 : i32
        %parallel_loop3A_416 = tpu.memref_slice %arg9[%parallel_loop3A_347, %parallel_loop3A_413, %parallel_loop3A_414, %parallel_loop3A_415] : memref<2x8x8x129xf32, #tpu.memory_space<vmem>> -> memref<1x8x8x129xf32, #tpu.memory_space<vmem>>
        %parallel_loop3A_417 = tpu.memref_squeeze %parallel_loop3A_416 : memref<1x8x8x129xf32, #tpu.memory_space<vmem>> -> memref<8x8x129xf32, #tpu.memory_space<vmem>>
        tpu.vector_store_idx %parallel_loop3A_417[%add3A_96, %select_n3A_150, %parallel_loop3A_378], %parallel_loop3A_412 : memref<8x8x129xf32, #tpu.memory_space<vmem>>[vector<16xi32>, vector<16xi32>, vector<16xi32>], vector<16xf32>,
        %parallel_loop3A_418 = arith.constant 0 : i32
        %parallel_loop3A_419 = arith.constant 0 : i32
        %parallel_loop3A_420 = tpu.memref_slice %arg8[%parallel_loop3A_346, %parallel_loop3A_418, %parallel_loop3A_419] : memref<2x128x64xf32, #tpu.memory_space<vmem>> -> memref<1x128x64xf32, #tpu.memory_space<vmem>>
        %parallel_loop3A_421 = tpu.memref_squeeze %parallel_loop3A_420 : memref<1x128x64xf32, #tpu.memory_space<vmem>> -> memref<128x64xf32, #tpu.memory_space<vmem>>
        %parallel_loop3A_422 = arith.index_cast %parallel_loop3A_377 : i32 to index
        %parallel_loop3A_423 = arith.constant 48 : index
        %parallel_loop3A_424 = tpu.vector_load %parallel_loop3A_421[%parallel_loop3A_422, %parallel_loop3A_423] {strides = array<i32>} : memref<128x64xf32, #tpu.memory_space<vmem>>, vector<16xf32>,
        %parallel_loop3A_425 = arith.addf %parallel_loop3A_424, %get3A_342 : vector<16xf32>
        %parallel_loop3A_426 = arith.constant 0 : i32
        %parallel_loop3A_427 = arith.constant 0 : i32
        %parallel_loop3A_428 = arith.constant 0 : i32
        %parallel_loop3A_429 = tpu.memref_slice %arg9[%parallel_loop3A_347, %parallel_loop3A_426, %parallel_loop3A_427, %parallel_loop3A_428] : memref<2x8x8x129xf32, #tpu.memory_space<vmem>> -> memref<1x8x8x129xf32, #tpu.memory_space<vmem>>
        %parallel_loop3A_430 = tpu.memref_squeeze %parallel_loop3A_429 : memref<1x8x8x129xf32, #tpu.memory_space<vmem>> -> memref<8x8x129xf32, #tpu.memory_space<vmem>>
        tpu.vector_store_idx %parallel_loop3A_430[%add3A_130, %select_n3A_150, %parallel_loop3A_378], %parallel_loop3A_425 : memref<8x8x129xf32, #tpu.memory_space<vmem>>[vector<16xi32>, vector<16xi32>, vector<16xi32>], vector<16xf32>,
      } {sc.loop_unroll_factor = 2 : i64, sc.parallel_access}
      %dma_start3A_348 = arith.constant 1 : i32
      %dma_start3A_349 = arith.constant 0 : i32
      %dma_start3A_350 = arith.constant 0 : i32
      %dma_start3A_351 = arith.constant 0 : i32
      %dma_start3A_352 = tpu.memref_slice %arg9[%dma_start3A_348, %dma_start3A_349, %dma_start3A_350, %dma_start3A_351] : memref<2x8x8x129xf32, #tpu.memory_space<vmem>> -> memref<1x8x8x129xf32, #tpu.memory_space<vmem>>
      %dma_start3A_353 = tpu.memref_squeeze %dma_start3A_352 : memref<1x8x8x129xf32, #tpu.memory_space<vmem>> -> memref<8x8x129xf32, #tpu.memory_space<vmem>>
      %dma_start3A_354 = arith.constant 0 : i32
      %dma_start3A_355 = arith.constant 0 : i32
      %dma_start3A_356 = arith.constant 0 : i32
      %dma_start3A_357 = tpu.memref_slice %dma_start3A_353[%dma_start3A_354, %dma_start3A_355, %dma_start3A_356] : memref<8x8x129xf32, #tpu.memory_space<vmem>> -> memref<8x8x128xf32, #tpu.memory_space<vmem>>
      %dma_start3A_358 = arith.constant 0 : i32
      %dma_start3A_359 = arith.constant 0 : i32
      %dma_start3A_360 = arith.constant 0 : i32
      %dma_start3A_361 = tpu.memref_slice %arg5[%add3A_303, %dma_start3A_358, %add3A, %dma_start3A_359, %dma_start3A_360] : memref<200x8x32x8x128xf32, #tpu.memory_space<hbm>> -> memref<1x8x1x8x128xf32, #tpu.memory_space<hbm>>
      %dma_start3A_362 = tpu.memref_squeeze %dma_start3A_361 : memref<1x8x1x8x128xf32, #tpu.memory_space<hbm>> -> memref<8x8x128xf32, #tpu.memory_space<hbm>>
      %dma_start3A_363 = arith.constant 0 : i32
      %dma_start3A_364 = arith.constant 0 : i32
      %dma_start3A_365 = arith.constant 0 : i32
      %dma_start3A_366 = tpu.memref_slice %arg5[%add3A_303, %dma_start3A_363, %add3A, %dma_start3A_364, %dma_start3A_365] : memref<200x8x32x8x128xf32, #tpu.memory_space<hbm>> -> memref<1x8x1x8x128xf32, #tpu.memory_space<hbm>>
      %dma_start3A_367 = tpu.memref_squeeze %dma_start3A_366 : memref<1x8x1x8x128xf32, #tpu.memory_space<hbm>> -> memref<8x8x128xf32, #tpu.memory_space<hbm>>
      %dma_start3A_368 = arith.constant 0 : i32
      %dma_start3A_369 = arith.constant 0 : i32
      %dma_start3A_370 = arith.constant 0 : i32
      %dma_start3A_371 = tpu.memref_slice %arg9[%dma_start3A_348, %dma_start3A_368, %dma_start3A_369, %dma_start3A_370] : memref<2x8x8x129xf32, #tpu.memory_space<vmem>> -> memref<1x8x8x129xf32, #tpu.memory_space<vmem>>
      %dma_start3A_372 = tpu.memref_squeeze %dma_start3A_371 : memref<1x8x8x129xf32, #tpu.memory_space<vmem>> -> memref<8x8x129xf32, #tpu.memory_space<vmem>>
      %dma_start3A_373 = arith.constant 0 : i32
      %dma_start3A_374 = arith.constant 0 : i32
      %dma_start3A_375 = arith.constant 0 : i32
      %dma_start3A_376 = tpu.memref_slice %dma_start3A_372[%dma_start3A_373, %dma_start3A_374, %dma_start3A_375] : memref<8x8x129xf32, #tpu.memory_space<vmem>> -> memref<8x8x128xf32, #tpu.memory_space<vmem>>
      tpu.enqueue_dma source(%dma_start3A_376 : memref<8x8x128xf32, #tpu.memory_space<vmem>>) target(%dma_start3A_367 : memref<8x8x128xf32, #tpu.memory_space<hbm>>) target_semaphore(%arg13 : memref<!tpu.dma_semaphore, #tpu.memory_space<semaphore_mem>>)
    }
    %scan3A_165 = arith.constant 100 : i32
    %dma_wait3A = arith.constant 0 : i32
    %dma_wait3A_166 = arith.constant 0 : i32
    %dma_wait3A_167 = arith.constant 0 : i32
    %dma_wait3A_168 = arith.constant 0 : i32
    %dma_wait3A_169 = arith.constant 0 : i32
    %dma_wait3A_170 = arith.constant 0 : i32
    %dma_wait3A_171 = tpu.memref_slice %arg9[%dma_wait3A, %dma_wait3A_168, %dma_wait3A_169, %dma_wait3A_170] : memref<2x8x8x129xf32, #tpu.memory_space<vmem>> -> memref<1x8x8x129xf32, #tpu.memory_space<vmem>>
    %dma_wait3A_172 = tpu.memref_squeeze %dma_wait3A_171 : memref<1x8x8x129xf32, #tpu.memory_space<vmem>> -> memref<8x8x129xf32, #tpu.memory_space<vmem>>
    %dma_wait3A_173 = arith.constant 0 : i32
    %dma_wait3A_174 = arith.constant 0 : i32
    %dma_wait3A_175 = arith.constant 0 : i32
    %dma_wait3A_176 = tpu.memref_slice %dma_wait3A_172[%dma_wait3A_173, %dma_wait3A_174, %dma_wait3A_175] : memref<8x8x129xf32, #tpu.memory_space<vmem>> -> memref<8x8x128xf32, #tpu.memory_space<vmem>>
    %dma_wait3A_177 = arith.constant 0 : i32
    %dma_wait3A_178 = arith.constant 0 : i32
    %dma_wait3A_179 = arith.constant 0 : i32
    %dma_wait3A_180 = tpu.memref_slice %arg5[%dma_wait3A_166, %dma_wait3A_177, %dma_wait3A_167, %dma_wait3A_178, %dma_wait3A_179] : memref<200x8x32x8x128xf32, #tpu.memory_space<hbm>> -> memref<1x8x1x8x128xf32, #tpu.memory_space<hbm>>
    %dma_wait3A_181 = tpu.memref_squeeze %dma_wait3A_180 : memref<1x8x1x8x128xf32, #tpu.memory_space<hbm>> -> memref<8x8x128xf32, #tpu.memory_space<hbm>>
    %dma_wait3A_182 = arith.constant 0 : i32
    %dma_wait3A_183 = arith.constant 0 : i32
    %dma_wait3A_184 = arith.constant 0 : i32
    %dma_wait3A_185 = tpu.memref_slice %arg5[%dma_wait3A_166, %dma_wait3A_182, %dma_wait3A_167, %dma_wait3A_183, %dma_wait3A_184] : memref<200x8x32x8x128xf32, #tpu.memory_space<hbm>> -> memref<1x8x1x8x128xf32, #tpu.memory_space<hbm>>
    %dma_wait3A_186 = tpu.memref_squeeze %dma_wait3A_185 : memref<1x8x1x8x128xf32, #tpu.memory_space<hbm>> -> memref<8x8x128xf32, #tpu.memory_space<hbm>>
    %dma_wait3A_187 = arith.constant 0 : i32
    %dma_wait3A_188 = arith.constant 0 : i32
    %dma_wait3A_189 = arith.constant 0 : i32
    %dma_wait3A_190 = tpu.memref_slice %arg9[%dma_wait3A, %dma_wait3A_187, %dma_wait3A_188, %dma_wait3A_189] : memref<2x8x8x129xf32, #tpu.memory_space<vmem>> -> memref<1x8x8x129xf32, #tpu.memory_space<vmem>>
    %dma_wait3A_191 = tpu.memref_squeeze %dma_wait3A_190 : memref<1x8x8x129xf32, #tpu.memory_space<vmem>> -> memref<8x8x129xf32, #tpu.memory_space<vmem>>
    %dma_wait3A_192 = arith.constant 0 : i32
    %dma_wait3A_193 = arith.constant 0 : i32
    %dma_wait3A_194 = arith.constant 0 : i32
    %dma_wait3A_195 = tpu.memref_slice %dma_wait3A_191[%dma_wait3A_192, %dma_wait3A_193, %dma_wait3A_194] : memref<8x8x129xf32, #tpu.memory_space<vmem>> -> memref<8x8x128xf32, #tpu.memory_space<vmem>>
    tpu.wait_dma2 semaphore(%arg12 : memref<!tpu.dma_semaphore, #tpu.memory_space<semaphore_mem>>) src(%dma_wait3A_195 : memref<8x8x128xf32, #tpu.memory_space<vmem>>) dst(%dma_wait3A_186 : memref<8x8x128xf32, #tpu.memory_space<hbm>>)
    %dma_wait3A_196 = arith.constant 1 : i32
    %dma_wait3A_197 = arith.constant 0 : i32
    %dma_wait3A_198 = arith.constant 0 : i32
    %dma_wait3A_199 = arith.constant 0 : i32
    %dma_wait3A_200 = arith.constant 0 : i32
    %dma_wait3A_201 = arith.constant 0 : i32
    %dma_wait3A_202 = tpu.memref_slice %arg9[%dma_wait3A_196, %dma_wait3A_199, %dma_wait3A_200, %dma_wait3A_201] : memref<2x8x8x129xf32, #tpu.memory_space<vmem>> -> memref<1x8x8x129xf32, #tpu.memory_space<vmem>>
    %dma_wait3A_203 = tpu.memref_squeeze %dma_wait3A_202 : memref<1x8x8x129xf32, #tpu.memory_space<vmem>> -> memref<8x8x129xf32, #tpu.memory_space<vmem>>
    %dma_wait3A_204 = arith.constant 0 : i32
    %dma_wait3A_205 = arith.constant 0 : i32
    %dma_wait3A_206 = arith.constant 0 : i32
    %dma_wait3A_207 = tpu.memref_slice %dma_wait3A_203[%dma_wait3A_204, %dma_wait3A_205, %dma_wait3A_206] : memref<8x8x129xf32, #tpu.memory_space<vmem>> -> memref<8x8x128xf32, #tpu.memory_space<vmem>>
    %dma_wait3A_208 = arith.constant 0 : i32
    %dma_wait3A_209 = arith.constant 0 : i32
    %dma_wait3A_210 = arith.constant 0 : i32
    %dma_wait3A_211 = tpu.memref_slice %arg5[%dma_wait3A_197, %dma_wait3A_208, %dma_wait3A_198, %dma_wait3A_209, %dma_wait3A_210] : memref<200x8x32x8x128xf32, #tpu.memory_space<hbm>> -> memref<1x8x1x8x128xf32, #tpu.memory_space<hbm>>
    %dma_wait3A_212 = tpu.memref_squeeze %dma_wait3A_211 : memref<1x8x1x8x128xf32, #tpu.memory_space<hbm>> -> memref<8x8x128xf32, #tpu.memory_space<hbm>>
    %dma_wait3A_213 = arith.constant 0 : i32
    %dma_wait3A_214 = arith.constant 0 : i32
    %dma_wait3A_215 = arith.constant 0 : i32
    %dma_wait3A_216 = tpu.memref_slice %arg5[%dma_wait3A_197, %dma_wait3A_213, %dma_wait3A_198, %dma_wait3A_214, %dma_wait3A_215] : memref<200x8x32x8x128xf32, #tpu.memory_space<hbm>> -> memref<1x8x1x8x128xf32, #tpu.memory_space<hbm>>
    %dma_wait3A_217 = tpu.memref_squeeze %dma_wait3A_216 : memref<1x8x1x8x128xf32, #tpu.memory_space<hbm>> -> memref<8x8x128xf32, #tpu.memory_space<hbm>>
    %dma_wait3A_218 = arith.constant 0 : i32
    %dma_wait3A_219 = arith.constant 0 : i32
    %dma_wait3A_220 = arith.constant 0 : i32
    %dma_wait3A_221 = tpu.memref_slice %arg9[%dma_wait3A_196, %dma_wait3A_218, %dma_wait3A_219, %dma_wait3A_220] : memref<2x8x8x129xf32, #tpu.memory_space<vmem>> -> memref<1x8x8x129xf32, #tpu.memory_space<vmem>>
    %dma_wait3A_222 = tpu.memref_squeeze %dma_wait3A_221 : memref<1x8x8x129xf32, #tpu.memory_space<vmem>> -> memref<8x8x129xf32, #tpu.memory_space<vmem>>
    %dma_wait3A_223 = arith.constant 0 : i32
    %dma_wait3A_224 = arith.constant 0 : i32
    %dma_wait3A_225 = arith.constant 0 : i32
    %dma_wait3A_226 = tpu.memref_slice %dma_wait3A_222[%dma_wait3A_223, %dma_wait3A_224, %dma_wait3A_225] : memref<8x8x129xf32, #tpu.memory_space<vmem>> -> memref<8x8x128xf32, #tpu.memory_space<vmem>>
    tpu.wait_dma2 semaphore(%arg13 : memref<!tpu.dma_semaphore, #tpu.memory_space<semaphore_mem>>) src(%dma_wait3A_226 : memref<8x8x128xf32, #tpu.memory_space<vmem>>) dst(%dma_wait3A_217 : memref<8x8x128xf32, #tpu.memory_space<hbm>>)
    return
  }
}

</mosaic_0001>

<sc_bundles>
// kernel: kernel.3.cloned.1.call-start
scs
__scs_entry_jumppad:
0x0: {  	(pc) =	sbr.rel $0x88, $3  }
0x1: {  	(tag) =	ssettag $0x0;
	lr =	simm.s32 $0x1  }
0x2: {  	[smem:$0x3F9E] =	sst lr;
	_ =	strace $0xD0000000  }
0x3: {  	_ = 	snop  }
0x4: {  	_ = 	snop  }
0x5: {  	_ = 	snop  }
0x6: {  	_ = 	snop  }
0x7: {  	_ = 	snop  }
__scs_overlays_trampoline_lowered:
0x8: {  	[smem:$0x3FAD] =	sst s0  }
0x9: {  	[smem:$0x3FAE] =	sst s1  }
0xa: {  	[smem:$0x3FAF] =	sst s2  }
0xb: {  	[smem:$0x3FB0] =	sst s3  }
0xc: {  	[smem:$0x3FB1] =	sst s4  }
0xd: {  	[smem:$0x3FB2] =	sst s5  }
0xe: {  	[smem:$0x3FB3] =	sst s6  }
0xf: {  	[smem:$0x3FB4] =	sst s7  }
0x10: {  	[smem:$0x3FB5] =	sst s8  }
0x11: {  	[smem:$0x3FB6] =	sst s9;
	s0 =	simm.s32 @!p0 $0x0  }
0x12: {  	s1 =	sld [smem:$0x3F9C];
	s0 =	simm.s32 @p0 $0x1  }
0x13: {  	[smem:$0x3FB7] =	sst s0;
	s0 =	simm.s32 @!p1 $0x0  }
0x14: {  	s2 =	sld [smem:$0x3F9B];
	s0 =	simm.s32 @p1 $0x1  }
0x15: {  	[smem:$0x3FB8] =	sst s0;
	s0 =	simm.s32 @!p2 $0x0  }
0x16: {  	s3 =	sld [smem:$0x3FDB];
	s0 =	simm.s32 @p2 $0x1  }
0x17: {  	s4 =	simm.s32 $0x1BF5;
	[smem:$0x3FBA] =	sst s0  }
0x18: {  	s0 =	sld [smem:$0x3F9D];
	_ =	swait.ge [sflag:s4], $0x0  }
0x19: {  	s7 =	sld [smem:$0x3F9E]  }
0x1a: {  	s8 =	sadd.s32 $0xFFFFE003, lr  }
0x1b: {  	s9 =	sadd.s32 $0xFFFFFEF7, lr;
	s5 =	simm.s32 $0xFFFFFFFF;
	p2 =	slt.u32 s8, $0xFFFFF086  }
0x1c: {  	p1 =	slt.u32 s9, $0xF7A;
	s5 =	simm.s32 @!p2 $0x0  }
0x1d: {  	s5 =	simm.s32 @p1 $0x1;
	p0 =	seq.s32 s7, s2  }
0x1e: {  	s7 =	smul.u32 @!p0 $0xF7A, s2;
	p2 =	seq.s32 @!p0 s5, $0x0  }
0x1f: {  	s9 =	smul.u32 $0xF7A, s1;
	s8 =	simm.s32 @!p0 $0x1BF5;
	p2 =	por !p2, p0  }
0x20: {  	[sflag:s8] =	ssyncset.s32 @!p0 $0xFFFFF086;
	s6 =	sadd.s32 @!p0 s3, s7;
	s7 =	simm.s32 @!p0 $0x108  }
0x21: {  	s3 =	sadd.s32 s3, s9;
	s6 =	sadd.s32 @!p0 $0x88, s6;
	s7 =	simm.s32 @p2 $0x1082  }
0x22: {  	[simem:s7], [sflag:s8] =	dma.local @!p0 [hbm:s6], $0xF7A  }
0x23: {  	s9 =	sor.u32 $0xD0000000, s2;
	s6 =	simm.s32 $0x108;
	_ =	swait.ge @!p0 [sflag:s8], $0x0  }
0x24: {  	s3 =	sadd.s32 $0x88, s3;
	s6 =	simm.s32 @!p1 $0x1082;
	[sflag:s4] =	ssyncset.s32 $0xFFFFF086  }
0x25: {  	[simem:s6], [sflag:s4] =	dma.local [hbm:s3], $0xF7A  }
0x26: {  	[smem:$0x3F9E] =	sst s1;
	(tag) =	ssettag s2;
	_ =	strace s9  }
0x27: {  	s1 =	sld [smem:$0x3FAE]  }
0x28: {  	s2 =	sld [smem:$0x3FAF]  }
0x29: {  	s4 =	sld [smem:$0x3FB1]  }
0x2a: {  	p0 =	seq.s32 s5, $0x0;
	s5 =	sld [smem:$0x3FB2]  }
0x2b: {  	s6 =	sld [smem:$0x3FB3]  }
0x2c: {  	s7 =	sld [smem:$0x3FB4]  }
0x2d: {  	s3 =	simm.s32 $0x108;
	s8 =	sld [smem:$0x3FB5]  }
0x2e: {  	s3 =	simm.s32 @!p0 $0x1082;
	s9 =	sld [smem:$0x3FB6]  }
0x2f: {  	lr =	sadd.s32 s0, s3;
	s0 =	sld [smem:$0x3FAD]  }
0x30: {  	s3 =	sld [smem:$0x3FB0]  }
0x31: {  	[smem:$0x3FB9] =	sst s10  }
0x32: {  	s10 =	sld [smem:$0x3FB7];
	_ =	sdelay $0x3  }
0x33: {  	p0 =	seq.s32 s10, $0x1;
	s10 =	sld [smem:$0x3FB9];
	_ =	sdelay $0x3  }
0x34: {  	[smem:$0x3FB9] =	sst s10  }
0x35: {  	s10 =	sld [smem:$0x3FB8];
	_ =	sdelay $0x3  }
0x36: {  	p1 =	seq.s32 s10, $0x1;
	s10 =	sld [smem:$0x3FB9];
	_ =	sdelay $0x3  }
0x37: {  	[smem:$0x3FB9] =	sst s10  }
0x38: {  	s10 =	sld [smem:$0x3FBA]  }
0x39: {  	_ = 	snop;
	(pc) =	sbr.ind lr, $3  }
0x3a: {  	_ = 	snop  }
0x3b: {  	_ = 	snop  }
0x3c: {  	p2 =	seq.s32 s10, $0x1;
	s10 =	sld [smem:$0x3FB9]  }
0x3d: {  	_ =	shalt  }
0x3e: {  	_ =	shalt  }
0x3f: {  	_ =	shalt  }
0x40: {  	_ =	shalt  }
0x41: {  	_ =	shalt  }
0x42: {  	_ =	shalt  }
0x43: {  	_ =	shalt  }
0x44: {  	_ =	shalt  }
0x45: {  	_ =	shalt  }
0x46: {  	_ =	shalt  }
0x47: {  	_ =	shalt  }
0x48: {  	_ =	shalt  }
0x49: {  	_ =	shalt  }
0x4a: {  	_ =	shalt  }
0x4b: {  	_ =	shalt  }
0x4c: {  	_ =	shalt  }
0x4d: {  	_ =	shalt  }
0x4e: {  	_ =	shalt  }
0x4f: {  	_ =	shalt  }
0x50: {  	_ =	shalt  }
0x51: {  	_ =	shalt  }
0x52: {  	_ =	shalt  }
0x53: {  	_ =	shalt  }
0x54: {  	_ =	shalt  }
0x55: {  	_ =	shalt  }
0x56: {  	_ =	shalt  }
0x57: {  	_ =	shalt  }
0x58: {  	_ =	shalt  }
0x59: {  	_ =	shalt  }
0x5a: {  	_ =	shalt  }
0x5b: {  	_ =	shalt  }
0x5c: {  	_ =	shalt  }
0x5d: {  	_ =	shalt  }
0x5e: {  	_ =	shalt  }
0x5f: {  	_ =	shalt  }
0x60: {  	_ =	shalt  }
0x61: {  	_ =	shalt  }
0x62: {  	_ =	shalt  }
0x63: {  	_ =	shalt  }
0x64: {  	_ =	shalt  }
0x65: {  	_ =	shalt  }
0x66: {  	_ =	shalt  }
0x67: {  	_ =	shalt  }
0x68: {  	_ =	shalt  }
0x69: {  	_ =	shalt  }
0x6a: {  	_ =	shalt  }
0x6b: {  	_ =	shalt  }
0x6c: {  	_ =	shalt  }
0x6d: {  	_ =	shalt  }
0x6e: {  	_ =	shalt  }
0x6f: {  	_ =	shalt  }
0x70: {  	_ =	shalt  }
0x71: {  	_ =	shalt  }
0x72: {  	_ =	shalt  }
0x73: {  	_ =	shalt  }
0x74: {  	_ =	shalt  }
0x75: {  	_ =	shalt  }
0x76: {  	_ =	shalt  }
0x77: {  	_ =	shalt  }
0x78: {  	_ =	shalt  }
0x79: {  	_ =	shalt  }
0x7a: {  	_ =	shalt  }
0x7b: {  	_ =	shalt  }
0x7c: {  	_ =	shalt  }
0x7d: {  	_ =	shalt  }
0x7e: {  	_ =	shalt  }
0x7f: {  	_ =	shalt  }
0x80: {  	_ =	shalt  }
0x81: {  	_ =	shalt  }
0x82: {  	_ =	shalt  }
0x83: {  	_ =	shalt  }
0x84: {  	_ =	shalt  }
0x85: {  	_ =	shalt  }
0x86: {  	_ =	shalt  }
0x87: {  	_ =	shalt  }
.Lfunc_end0:
.L_simem_size_0:
called_computation_lowered:
.L_overlay_start_0:
0x88: {  	s2 =	sld [smem:$0x3FD9]  }
0x89: {  	s3 =	sld [smem:$0x3FFE];
	_ =	sdelay $0x1  }
0x8a: {  	s1 =	srdreg.scid  }
0x8b: {  	s0 =	sand.u32 $0x1, s1  }
0x8c: {  	s17 =	sshll.u32 s0, $0xA;
	s2 =	sadd.s32 s3, s2  }
0x8d: {  	s2 =	sadd.s32 s2, s17  }
0x8e: {  	[smem:$0x3FC5] =	sst s2  }
0x8f: {  	_ = 	snop  }
0x90: {  	s2 =	sld [smem:$0x3FD0];
	(tm) =	ssettm $0x1  }
0x91: {  	s18 =	sld [smem:$0x3FFB];
	_ =	sdelay $0x3  }
0x92: {  	_ =	strace s18  }
0x93: {  	s3 =	sld [smem:$0x3FFC];
	_ =	sdelay $0x3  }
0x94: {  	_ =	strace s3  }
0x95: {  	s3 =	sld [smem:$0x3FFD];
	_ =	sdelay $0x3  }
0x96: {  	_ =	strace s3  }
0x97: {  	_ =	strace $0x8FFFFFFF  }
0x98: {  	s19 =	sld [smem:$0x3FDB];
	_ =	sdelay $0x1  }
0x99: {  	s4 =	simm.s32 $_scs_section_size  }
0x9a: {  	s5 =	simm.s32 $_size__tile_overlayer_lowered;
	s6 =	simm.s32 $_tile_overlayer_lowered  }
0x9b: {  	s22 =	simm.s32 $0x1BFF;
	s21 =	sshll.u32 s6, $0x1;
	s3 =	sadd.s32 s4, s19  }
0x9c: {  	s7 =	simm.s32 $0x0;
	s20 =	sshll.u32 s5, $0x1;
	s5 =	sadd.s32 s21, s3  }
0x9d: {  	[timem:s7], [sflag:s22] =	dma.local [hbm:s5], s20  }
0x9e: {  	_ =	swait.ge [sflag:s22], s20  }
0x9f: {  	s4 =	ssub.s32 $0x0, s20;
	[sflag:s22] =	ssyncset.done $0x0  }
0xa0: {  	[sflag:s22] =	ssyncadd.s32 s4;
	_ =	sdelay $0x1  }
0xa1: {  	s23 =	simm.s32 $0x1B8B  }
0xa2: {  	_ =	swait.ge [sflag:s23], $0x1  }
0xa3: {  	[sflag:s23] =	ssyncset.done $0x0  }
0xa4: {  	s25 =	simm.s32 $0x1B8E;
	s24 =	sld [smem:$0x3FFE];
	[sflag:s23] =	ssyncadd.s32 $0xFFFFFFFF  }
0xa5: {  	s26 =	simm.s32 $execute0_lowered;
	[smem:$0x3FD2] =	sst s25  }
0xa6: {  	s5 =	sshll.u32 s26, $0x1;
	_ =	strace $0x80000046;
	[dreg:$0x1] =	wrdreg $0xFFFFFFFF  }
0xa7: {  	s28 =	simm.s32 $_size_execute0_lowered;
	s3 =	sadd.s32 s3, s5;
	[dreg:$0x0] =	wrdreg $0x0  }
0xa8: {  	s5 =	sshll.u32 s28, $0x1;
	[dreg:$0x2] =	wrdreg s3  }
0xa9: {  	[dreg:$0x3] =	wrdreg s5  }
0xaa: {  	[dreg:$0x4] =	wrdreg $0xC0  }
0xab: {  	_ =	task [dreg:s7], $0x5FFFF  }
0xac: {  	[dreg:$0x1] =	wrdreg $0xFFFFFFFF  }
0xad: {  	[dreg:$0x0] =	wrdreg $0x60  }
0xae: {  	[dreg:$0x2] =	wrdreg s24  }
0xaf: {  	[dreg:$0x3] =	wrdreg s2  }
0xb0: {  	[dreg:$0x4] =	wrdreg $0x9  }
0xb1: {  	_ =	task.clear_ibuf [dreg:s7], $0x5FFFF;
	_ =	strace $0x90000046  }
0xb2: {  	s29 =	simm.s32 $0x9;
	_ =	strace $0x80000048  }
0xb3: {  	_ =	swait.ge [sflag:s29], $0x1  }
0xb4: {  	[sflag:s29] =	ssyncadd.s32 $0xFFFFFFFF  }
0xb5: {  	_ =	strace $0x90000048  }
0xb6: {  	_ =	sfence  }
0xb7: {  	s30 =	sld [smem:$0x0];
	_ =	sdelay $0x2  }
0xb8: {  	s31 =	sshll.u32 s1, $0xD;
	s1 =	sshrl.u32 s1, $0x2  }
0xb9: {  	s3 =	sand.u32 $0x4000, s31;
	s1 =	sadd.s32 s1, s30  }
0xba: {  	s0 =	sor.u32 s3, s0;
	s1 =	sshll.u32 s1, $0x11  }
0xbb: {  	s0 =	sor.u32 s1, s0  }
0xbc: {  	s0 =	sadd.s32 $0x8F2B, s0  }
0xbd: {  	[sflag:s0] =	ssyncadd.remote.s32 $0x1  }
0xbe: {  	_ =	sfence.sel $0xFFFF  }
0xbf: {  	[dreg:$0x0] =	wrdreg $0xFFFFFFFF;
	(pc) =	sbr.abs _section_cstart, $3  }
0xc0: {  	[dreg:$0x1] =	wrdreg $0xFFFFFFFF  }
0xc1: {  	_ =	task.clear_ibuf [dreg:s7], $0x2FFFF;
	_ =	strace $0x9FFFFFFF  }
0xc2: {  	(tm) =	ssettm $0x7FFFFFFF  }
0xc3: {  	_ =	shalt  }
tec
execute0_lowered:
.L_overlay_start_1:
0x0: {  	(tag) =	ssettag $0x1  }
0x1: {  	s5 =	rddreg [dreg:$0x0]  }
0x2: {  	s2 =	rddreg [dreg:$0x1];
	s4 =	srdreg.scid  }
0x3: {  	s1 =	stileid.u32;
	s3 =	simm.s32 $0x0;
	s10 =	simm.s32 $0x1000  }
0x4: {  	s11 =	simm.s32 $0x5;
	s12 =	simm.s32 $0x6400;
	s13 =	simm.s32 $0x9600  }
0x5: {  	s14 =	simm.s32 $0xB600;
	s15 =	simm.s32 $0x1;
	s16 =	simm.s32 $0xD600  }
0x6: {  	s17 =	simm.s32 $0x2;
	s18 =	simm.s32 $0x4;
	s19 =	simm.s32 $0xF800  }
0x7: {  	s20 =	simm.s32 $0x3;
	s4 =	sand.u32 $0x1, s4;
	s6 =	sshll.u32 s1, $0x1  }
0x8: {  	s21 =	simm.s32 $0x0;
	[smem:$0x7FF] =	sst s3;
	s7 =	sor.u32 s4, s6  }
0x9: {  	v0 =	vlaneseq.u32;
	_ =	strace $0x80000047;
	s8 =	ssub.s32 $0x2, s4;
	s4 =	sadd.s32 $0xF42C00, s5  }
0xa: {  	v0 =	vmul.u32 $0x88, v0;
	s6 =	sshll.u32 s7, $0x4;
	s9 =	sshrl.u32 s8, $0x1;
	s7 =	sshll.u32 s7, $0xA  }
0xb: {  	s6 =	sadd.s32 s6, s5;
	s5 =	sadd.s32 $0x19800, s5;
	s8 =	ssub.s32 s8, s9  }
0xc: {  	v1 =	vadd.s32 $0x880, v0;
	v2 =	vadd.s32 $0x1100, v0;
	v3 =	vadd.s32 $0x1980, v0;
	s9 =	simm.s32 $0x80;
	s6 =	sadd.s32 $0x800, s6;
	s8 =	smax.u32 s8, $0x1  }
.LBB2_1:
0xd: {  	[tilespmem:s3], [sflag:$0x5] =	stream.strided.gather [hbm4b:s6+s9], $0x6400, s10, s9, $0x38;
	[tilespmem:$0x11A00] =	vst v63  }
0xe: {  	_ =	swait.ge [sflag:s11], $0x6400  }
0xf: {  	[sflag:s11] =	ssyncset.done $0x0  }
0x10: {  	[sflag:s11] =	ssyncadd.s32 $0xFFFF9C00  }
0x11: {  	[tilespmem:s12], [sflag:$0x5] =	stream.linear.gather [hbm4b:s5+s3], $0x3200, $0x38;
	[tilespmem:$0x11A00] =	vst v63  }
0x12: {  	_ =	swait.ge [sflag:s11], $0x3200  }
0x13: {  	[sflag:s11] =	ssyncset.done $0x0  }
0x14: {  	s22 =	simm.s32 $0x0;
	[sflag:s11] =	ssyncadd.s32 $0xFFFFCE00  }
0x15: {  	[tilespmem:s13], [sflag:$0x1] =	stream.indirect.gather [hbm4b:s4+s9], $0x40, s3, s9, $0xb8;
	[tilespmem:$0x11A00] =	vst v63  }
.LBB2_2:
0x16: {  	s23 =	sshllo.u32 s22, $0x1  }
0x17: {  	s24 =	sshll.u32 s23, $0x7  }
0x18: {  	s24 =	sand.u32 $0x3FFFFF80, s24  }
0x19: {  	[tilespmem:s14], [sflag:$0x2] =	stream.indirect.gather [hbm4b:s4+s9], $0x40, s24, s9, $0xb8;
	[tilespmem:$0x11A00] =	vst v63  }
0x1a: {  	_ =	swait.ge [sflag:s15], $0x2000  }
0x1b: {  	p0 =	seq.s32 s22, $0x0;
	[sflag:s15] =	ssyncset.done $0x0  }
0x1c: {  	s24 =	simm.s32 @!p0 $0x3;
	[sflag:s15] =	ssyncadd.s32 $0xFFFFE000  }
0x1d: {  	_ =	swait.ge @!p0 [sflag:s24], $0x2000  }
0x1e: {  	s25 =	sshll.u32 s22, $0x7;
	[sflag:s24] =	ssyncset.done @!p0 $0x0  }
0x1f: {  	[sflag:s24] =	ssyncadd.s32 @!p0 $0xFFFFE000;
	s24 =	sand.u32 $0x3FFFFF80, s25  }
0x20: {  	s28 =	simm.s32 $0x9640;
	s0 =	simm.s32 $0x1;
	v9 =	vld [tilespmem:s24+$0x6400]  }
0x21: {  	v4 =	vmov s0;
	v6 =	vld [tilespmem:s28+$0x0]  }
0x22: {  	v14 =	vand.u32 $0x7F, v4  }
0x23: {  	v8 =	vadd.s32 v0, v14  }
0x24: {  	s26 =	simm.s32 $0x0;
	v7 =	vld [tilespmem:s24+$0x6410]  }
0x25: {  	v4 =	vmov s26;
	v10 =	vld [tilespmem:s28+$0xFFFFFFC0]  }
0x26: {  	v18 =	vand.u32 $0x7E, v4;
	v5 =	vld [tilespmem:s24+$0x6420];
	v6 =	vadd.f32 v6, v9  }
0x27: {  	s0 =	simm.s32 $0x3;
	v11 =	vadd.s32 v0, v18;
	v4 =	vld [tilespmem:s24+$0x6430];
	s24 =	simm.s32 $0x96C0  }
0x28: {  	v12 =	vld [tilespmem:s24+$0x0];
	[tilespmem:v8+s16+$0x0] =	vst.idx.msk $0xffff, v6;
	v6 =	vmov s0  }
0x29: {  	v6 =	vand.u32 $0x7F, v6;
	v13 =	vld [tilespmem:s28+$0x10]  }
0x2a: {  	v8 =	vadd.f32 v10, v9;
	v10 =	vadd.s32 v0, v6  }
0x2b: {  	s26 =	simm.s32 $0x2;
	v15 =	vadd.s32 v1, v14  }
0x2c: {  	[tilespmem:v11+s16+$0x0] =	vst.idx.msk $0xffff, v8;
	v8 =	vmov s26;
	v11 =	vld [tilespmem:s24+$0xFFFFFFC0]  }
0x2d: {  	v12 =	vadd.f32 v12, v9;
	v8 =	vand.u32 $0x7E, v8;
	v16 =	vld [tilespmem:s28+$0xFFFFFFD0]  }
0x2e: {  	s25 =	simm.s32 $0x9740;
	s26 =	simm.s32 $0x5;
	v17 =	vadd.s32 v0, v8;
	v13 =	vadd.f32 v13, v7  }
0x2f: {  	v19 =	vld [tilespmem:s25+$0x0];
	[tilespmem:v10+s16+$0x0] =	vst.idx.msk $0xffff, v12;
	v12 =	vadd.s32 v1, v18;
	v10 =	vmov s26  }
0x30: {  	[tilespmem:v15+s16+$0x0] =	vst.idx.msk $0xffff, v13;
	v10 =	vand.u32 $0x7F, v10;
	v13 =	vld [tilespmem:s24+$0x10]  }
0x31: {  	v11 =	vadd.f32 v11, v9;
	v15 =	vadd.s32 v0, v10;
	v20 =	vld [tilespmem:s28+$0x20]  }
0x32: {  	s0 =	simm.s32 $0x4;
	v21 =	vadd.s32 v1, v6;
	v16 =	vadd.f32 v16, v7  }
0x33: {  	v22 =	vadd.s32 v2, v14;
	[tilespmem:v17+s16+$0x0] =	vst.idx.msk $0xffff, v11;
	v11 =	vmov s0;
	v17 =	vld [tilespmem:s25+$0xFFFFFFC0]  }
0x34: {  	v11 =	vand.u32 $0x7E, v11;
	[tilespmem:v12+s16+$0x0] =	vst.idx.msk $0xffff, v16;
	v12 =	vadd.f32 v19, v9;
	v16 =	vld [tilespmem:s24+$0xFFFFFFD0]  }
0x35: {  	s29 =	simm.s32 $0x7;
	s26 =	simm.s32 $0x97C0;
	v19 =	vadd.s32 v0, v11;
	v13 =	vadd.f32 v13, v7;
	v23 =	vld [tilespmem:s28+$0xFFFFFFE0]  }
0x36: {  	v24 =	vld [tilespmem:s26+$0x0];
	[tilespmem:v15+s16+$0x0] =	vst.idx.msk $0xffff, v12;
	v15 =	vadd.s32 v1, v8;
	v20 =	vadd.f32 v20, v5;
	v12 =	vmov s29  }
0x37: {  	[tilespmem:v21+s16+$0x0] =	vst.idx.msk $0xffff, v13;
	v21 =	vadd.s32 v2, v18;
	v12 =	vand.u32 $0x7F, v12;
	v25 =	vld [tilespmem:s25+$0x10]  }
0x38: {  	v13 =	vadd.f32 v17, v9;
	[tilespmem:v22+s16+$0x0] =	vst.idx.msk $0xffff, v20;
	v17 =	vadd.s32 v0, v12;
	v20 =	vld [tilespmem:s24+$0x20]  }
0x39: {  	v26 =	vadd.s32 v1, v10;
	s29 =	simm.s32 $0x6;
	v16 =	vadd.f32 v16, v7;
	v27 =	vld [tilespmem:s28+$0x30]  }
0x3a: {  	v28 =	vadd.s32 v2, v6;
	[tilespmem:v19+s16+$0x0] =	vst.idx.msk $0xffff, v13;
	v13 =	vmov s29;
	v19 =	vadd.f32 v23, v5;
	v23 =	vld [tilespmem:s26+$0xFFFFFFC0]  }
0x3b: {  	v30 =	vadd.s32 v3, v14;
	v13 =	vand.u32 $0x7E, v13;
	v29 =	vld [tilespmem:s25+$0xFFFFFFD0];
	[tilespmem:v15+s16+$0x0] =	vst.idx.msk $0xffff, v16;
	v16 =	vadd.f32 v24, v9  }
0x3c: {  	[tilespmem:v21+s16+$0x0] =	vst.idx.msk $0xffff, v19;
	v21 =	vadd.s32 v0, v13;
	v14 =	vadd.f32 v25, v7;
	v15 =	vld [tilespmem:s24+$0xFFFFFFE0]  }
0x3d: {  	s30 =	simm.s32 $0x9;
	s29 =	simm.s32 $0x9840;
	v19 =	vadd.s32 v1, v11;
	[tilespmem:v17+s16+$0x0] =	vst.idx.msk $0xffff, v16;
	v20 =	vadd.f32 v20, v5;
	v16 =	vld [tilespmem:s28+$0xFFFFFFF0]  }
0x3e: {  	v22 =	vld [tilespmem:s29+$0x0];
	v24 =	vmov s30;
	v17 =	vadd.s32 v2, v8;
	[tilespmem:v26+s16+$0x0] =	vst.idx.msk $0xffff, v14;
	v27 =	vadd.f32 v27, v4  }
0x3f: {  	v18 =	vadd.s32 v3, v18;
	v14 =	vand.u32 $0x7F, v24;
	v26 =	vadd.f32 v23, v9;
	v23 =	vld [tilespmem:s26+$0x10];
	[tilespmem:v28+s16+$0x0] =	vst.idx.msk $0xffff, v20  }
0x40: {  	s31 =	simm.s32 $0x8;
	s30 =	simm.s32 $0xA;
	s28 =	simm.s32 $0x9840;
	v24 =	vadd.s32 v0, v14;
	v25 =	vadd.f32 v29, v7;
	v20 =	vld [tilespmem:s25+$0x20];
	[tilespmem:v30+s16+$0x0] =	vst.idx.msk $0xffff, v27  }
.LBB2_3:
0x41: {  	p1 =	slt.u32 s30, $0x7E;
	[tilespmem:v21+s16+$0x0] =	vst.idx.msk $0xffff, v26;
	v26 =	vadd.s32 v1, v12;
	v15 =	vadd.f32 v15, v5;
	v27 =	vld [tilespmem:s24+$0x30];
	v28 =	vmov v11  }
0x42: {  	v21 =	vmov s31;
	v11 =	vmovc v13;
	s31 =	smov.u32 s30;
	v29 =	vld [tilespmem:s29+$0xFFFFFFC0];
	[tilespmem:v19+s16+$0x0] =	vst.idx.msk $0xffff, v25;
	v25 =	vadd.s32 v2, v10;
	v16 =	vadd.f32 v16, v4  }
0x43: {  	v31 =	vadd.s32 v3, v6;
	v13 =	vand.u32 $0x7E, v21;
	v19 =	vadd.f32 v22, v9;
	v30 =	vld [tilespmem:s26+$0xFFFFFFD0];
	[tilespmem:v17+s16+$0x0] =	vst.idx.msk $0xffff, v15  }
.Ltmp0:
0x44: {  	v6 =	vmov v10;
	v21 =	vadd.s32 v0, v13;
	v17 =	vadd.f32 v23, v7;
	v15 =	vld [tilespmem:s25+$0xFFFFFFE0];
	[tilespmem:v18+s16+$0x0] =	vst.idx.msk $0xffff, v16;
	(pc) =	sbr.rel @p1 .LBB2_3-.Ltmp0, $4  }
0x45: {  	s0 =	sadd.s32 $0x1, s30;
	s29 =	sadd.s32 $0x80, s29;
	v10 =	vmov v12;
	[tilespmem:v24+s16+$0x0] =	vst.idx.msk $0xffff, v19;
	v19 =	vadd.s32 v1, v11;
	v18 =	vadd.f32 v20, v5;
	v16 =	vld [tilespmem:s24+$0xFFFFFFF0];
	s24 =	smov.u32 s25  }
0x46: {  	v12 =	vmovc v14;
	v20 =	vmov s0;
	s25 =	smov.u32 s26;
	s26 =	smov.u32 s28;
	s28 =	smov.u32 s29;
	v22 =	vld [tilespmem:s29+$0x0];
	[tilespmem:v26+s16+$0x0] =	vst.idx.msk $0xffff, v17;
	v17 =	vadd.s32 v2, v28;
	v27 =	vadd.f32 v27, v4  }
0x47: {  	v14 =	vand.u32 $0x7F, v20;
	v26 =	vadd.f32 v29, v9;
	v23 =	vld [tilespmem:s26+$0x10];
	[tilespmem:v25+s16+$0x0] =	vst.idx.msk $0xffff, v18;
	v18 =	vadd.s32 v3, v8  }
0x48: {  	s30 =	sadd.s32 $0x2, s30;
	v24 =	vadd.s32 v0, v14;
	v8 =	vmov v28;
	v25 =	vadd.f32 v30, v7;
	v20 =	vld [tilespmem:s25+$0x20];
	[tilespmem:v31+s16+$0x0] =	vst.idx.msk $0xffff, v27  }
0x49: {  	v27 =	vmov s31;
	v28 =	vld [tilespmem:s29+$0xFFFFFFC0]  }
0x4a: {  	v27 =	vand.u32 $0x7E, v27  }
0x4b: {  	v29 =	vadd.s32 v0, v27;
	_ =	sdelay $0x1  }
0x4c: {  	v22 =	vadd.f32 v22, v9  }
0x4d: {  	[tilespmem:v21+s16+$0x0] =	vst.idx.msk $0xffff, v26;
	v57 =	vadd.f32 v28, v9  }
0x4e: {  	v21 =	vld [tilespmem:s26+$0xFFFFFFD0];
	[tilespmem:v24+s16+$0x0] =	vst.idx.msk $0xffff, v22  }
0x4f: {  	v58 =	vadd.s32 v1, v12;
	v24 =	vld [tilespmem:s28+$0x10];
	[tilespmem:v29+s16+$0x0] =	vst.idx.msk $0xffff, v57  }
0x50: {  	v59 =	vadd.s32 v1, v13;
	v60 =	vld [tilespmem:s28+$0xFFFFFFD0]  }
0x51: {  	v61 =	vadd.s32 v1, v14  }
0x52: {  	v62 =	vadd.s32 v1, v27;
	v23 =	vadd.f32 v23, v7  }
0x53: {  	[tilespmem:v19+s16+$0x0] =	vst.idx.msk $0xffff, v25;
	v63 =	vadd.f32 v21, v7  }
0x54: {  	v30 =	vld [tilespmem:s25+$0xFFFFFFE0];
	[tilespmem:v58+s16+$0x0] =	vst.idx.msk $0xffff, v23;
	v31 =	vadd.f32 v24, v7  }
0x55: {  	v32 =	vadd.s32 v2, v10;
	v33 =	vld [tilespmem:s26+$0x20];
	[tilespmem:v59+s16+$0x0] =	vst.idx.msk $0xffff, v63;
	v34 =	vadd.f32 v60, v7  }
0x56: {  	v35 =	vadd.f32 v15, v5;
	v36 =	vadd.s32 v2, v11;
	v19 =	vld [tilespmem:s26+$0xFFFFFFE0];
	[tilespmem:v61+s16+$0x0] =	vst.idx.msk $0xffff, v31  }
0x57: {  	v37 =	vadd.s32 v2, v12;
	v16 =	vadd.f32 v16, v4;
	v38 =	vld [tilespmem:s28+$0x20];
	[tilespmem:v62+s16+$0x0] =	vst.idx.msk $0xffff, v34  }
0x58: {  	v40 =	vadd.s32 v2, v13;
	[tilespmem:v17+s16+$0x0] =	vst.idx.msk $0xffff, v35;
	v39 =	vadd.f32 v20, v5;
	v41 =	vld [tilespmem:s28+$0xFFFFFFE0]  }
0x59: {  	v42 =	vld [tilespmem:s24+$0x30];
	v44 =	vadd.s32 v2, v14;
	[tilespmem:v18+s16+$0x0] =	vst.idx.msk $0xffff, v16;
	v43 =	vadd.f32 v30, v5  }
0x5a: {  	v47 =	vadd.s32 v2, v27;
	v45 =	vld [tilespmem:s24+$0xFFFFFFF0];
	[tilespmem:v32+s16+$0x0] =	vst.idx.msk $0xffff, v39;
	v46 =	vadd.f32 v33, v5  }
0x5b: {  	v6 =	vadd.s32 v3, v6;
	v48 =	vld [tilespmem:s25+$0x30];
	[tilespmem:v36+s16+$0x0] =	vst.idx.msk $0xffff, v43;
	v49 =	vadd.f32 v19, v5  }
0x5c: {  	v8 =	vadd.s32 v3, v8;
	v16 =	vld [tilespmem:s25+$0xFFFFFFF0];
	[tilespmem:v37+s16+$0x0] =	vst.idx.msk $0xffff, v46;
	v50 =	vadd.f32 v38, v5  }
0x5d: {  	v51 =	vadd.s32 v3, v10;
	v52 =	vld [tilespmem:s26+$0x30];
	[tilespmem:v40+s16+$0x0] =	vst.idx.msk $0xffff, v49;
	v5 =	vadd.f32 v41, v5  }
0x5e: {  	v54 =	vadd.s32 v3, v11;
	v53 =	vadd.f32 v42, v4;
	v15 =	vld [tilespmem:s26+$0xFFFFFFF0];
	[tilespmem:v44+s16+$0x0] =	vst.idx.msk $0xffff, v50  }
0x5f: {  	v56 =	vadd.s32 v3, v12;
	v55 =	vadd.f32 v45, v4;
	v57 =	vld [tilespmem:s28+$0x30];
	[tilespmem:v47+s16+$0x0] =	vst.idx.msk $0xffff, v5  }
0x60: {  	v58 =	vadd.s32 v3, v13;
	[tilespmem:v6+s16+$0x0] =	vst.idx.msk $0xffff, v53;
	v5 =	vadd.f32 v48, v4;
	v59 =	vld [tilespmem:s28+$0xFFFFFFF0]  }
0x61: {  	[tilespmem:v8+s16+$0x0] =	vst.idx.msk $0xffff, v55;
	v61 =	vadd.s32 v3, v14;
	v60 =	vadd.f32 v16, v4  }
0x62: {  	v62 =	vadd.s32 v3, v27;
	[tilespmem:v51+s16+$0x0] =	vst.idx.msk $0xffff, v5;
	v5 =	vadd.f32 v52, v4  }
0x63: {  	[tilespmem:v54+s16+$0x0] =	vst.idx.msk $0xffff, v60;
	v63 =	vadd.f32 v15, v4  }
0x64: {  	s0 =	sshll.u32 s22, $0x13;
	[tilespmem:v56+s16+$0x0] =	vst.idx.msk $0xffff, v5;
	v5 =	vadd.f32 v57, v4  }
0x65: {  	s0 =	sor.u32 s7, s0;
	[tilespmem:v58+s16+$0x0] =	vst.idx.msk $0xffff, v63;
	v4 =	vadd.f32 v59, v4  }
0x66: {  	s0 =	sshrl.u32 s0, $0x3;
	[tilespmem:v61+s16+$0x0] =	vst.idx.msk $0xffff, v5  }
0x67: {  	s31 =	simm.s32 $0xD600;
	s0 =	sadd.s32 s2, s0;
	[tilespmem:v62+s16+$0x0] =	vst.idx.msk $0xffff, v4  }
0x68: {  	[hbm4b:s0+s3] =	stream.linear.scatter [tilespmem:s31], [sflag:$0x3], $0x80, $0x38;
	[tilespmem:$0x11A00] =	vst v63  }
0x69: {  	s25 =	simm.s32 $0xD688;
	s26 =	sadd.s32 $0x10, s0  }
0x6a: {  	[hbm4b:s26+s3] =	stream.linear.scatter [tilespmem:s25], [sflag:$0x3], $0x80, $0x38;
	[tilespmem:$0x11A00] =	vst v63  }
0x6b: {  	s30 =	simm.s32 $0xD710;
	s24 =	simm.s32 $0x440;
	s31 =	sadd.s32 $0x20, s0  }
0x6c: {  	[hbm4b:s31+s3] =	stream.linear.scatter [tilespmem:s30], [sflag:$0x3], $0x80, $0x38;
	[tilespmem:$0x11A00] =	vst v63  }
0x6d: {  	s29 =	sadd.s32 $0x70, s0;
	s25 =	simm.s32 $0xD798;
	s26 =	sadd.s32 $0x30, s0  }
0x6e: {  	[hbm4b:s26+s3] =	stream.linear.scatter [tilespmem:s25], [sflag:$0x3], $0x80, $0x38;
	[tilespmem:$0x11A00] =	vst v63  }
0x6f: {  	s28 =	simm.s32 $0xD9B8;
	s30 =	simm.s32 $0xD820;
	s31 =	sadd.s32 $0x40, s0  }
0x70: {  	[hbm4b:s31+s3] =	stream.linear.scatter [tilespmem:s30], [sflag:$0x3], $0x80, $0x38;
	[tilespmem:$0x11A00] =	vst v63  }
0x71: {  	s25 =	simm.s32 $0xD8A8;
	s26 =	sadd.s32 $0x50, s0;
	s30 =	simm.s32 $0xD930  }
0x72: {  	[hbm4b:s26+s3] =	stream.linear.scatter [tilespmem:s25], [sflag:$0x3], $0x80, $0x38;
	[tilespmem:$0x11A00] =	vst v63  }
0x73: {  	s31 =	sadd.s32 $0x60, s0;
	s26 =	simm.s32 $0x2200;
	s25 =	sadd.s32 $0x1000, s0  }
0x74: {  	[hbm4b:s31+s3] =	stream.linear.scatter [tilespmem:s30], [sflag:$0x3], $0x80, $0x38;
	[tilespmem:$0x11A00] =	vst v63  }
.LBB2_5:
0x75: {  	[hbm4b:s29+s3] =	stream.linear.scatter [tilespmem:s28], [sflag:$0x3], $0x80, $0x38;
	[tilespmem:$0x11A00] =	vst v63  }
0x76: {  	s0 =	smov.u32 s24;
	s24 =	smov.u32 s26  }
0x77: {  	s30 =	sadd.s32 $0x1100, s26;
	s24 =	sshra.s32 s24, $0x2;
	s28 =	sadd.s32 $0xD600, s0  }
0x78: {  	[hbm4b:s25+s3] =	stream.linear.scatter [tilespmem:s28], [sflag:$0x3], $0x80, $0x38;
	[tilespmem:$0x11A00] =	vst v63  }
0x79: {  	p1 =	sne.s32 s26, $0x7700;
	s26 =	sadd.s32 $0xD688, s0;
	s28 =	sadd.s32 $0x10, s25  }
0x7a: {  	[hbm4b:s28+s3] =	stream.linear.scatter [tilespmem:s26], [sflag:$0x3], $0x80, $0x38;
	[tilespmem:$0x11A00] =	vst v63  }
0x7b: {  	s26 =	sadd.s32 $0xD710, s0;
	s28 =	sadd.s32 $0x20, s25  }
0x7c: {  	[hbm4b:s28+s3] =	stream.linear.scatter [tilespmem:s26], [sflag:$0x3], $0x80, $0x38;
	[tilespmem:$0x11A00] =	vst v63  }
0x7d: {  	s26 =	sadd.s32 $0xD798, s0;
	s28 =	sadd.s32 $0x30, s25  }
0x7e: {  	[hbm4b:s28+s3] =	stream.linear.scatter [tilespmem:s26], [sflag:$0x3], $0x80, $0x38;
	[tilespmem:$0x11A00] =	vst v63  }
0x7f: {  	s26 =	sadd.s32 $0xD820, s0;
	s28 =	sadd.s32 $0x40, s25  }
0x80: {  	[hbm4b:s28+s3] =	stream.linear.scatter [tilespmem:s26], [sflag:$0x3], $0x80, $0x38;
	[tilespmem:$0x11A00] =	vst v63  }
.Ltmp1:
0x81: {  	s26 =	sadd.s32 $0xD8A8, s0;
	s28 =	sadd.s32 $0x50, s25;
	(pc) =	sbr.rel @p1 .LBB2_5-.Ltmp1, $4  }
0x82: {  	[hbm4b:s28+s3] =	stream.linear.scatter [tilespmem:s26], [sflag:$0x3], $0x80, $0x38;
	[tilespmem:$0x11A00] =	vst v63  }
0x83: {  	s29 =	sadd.s32 $0x70, s25;
	s26 =	sadd.s32 $0xD930, s0;
	s28 =	sadd.s32 $0x60, s25  }
0x84: {  	[hbm4b:s28+s3] =	stream.linear.scatter [tilespmem:s26], [sflag:$0x3], $0x80, $0x38;
	[tilespmem:$0x11A00] =	vst v63  }
0x85: {  	s25 =	sadd.s32 $0x1000, s25;
	s28 =	sadd.s32 $0xD9B8, s0;
	s26 =	smov.u32 s30  }
0x86: {  	[hbm4b:s29+s3] =	stream.linear.scatter [tilespmem:s28], [sflag:$0x3], $0x80, $0x38;
	[tilespmem:$0x11A00] =	vst v63  }
0x87: {  	s0 =	sadd.s32 $0xD600, s24  }
0x88: {  	[hbm4b:s25+s3] =	stream.linear.scatter [tilespmem:s0], [sflag:$0x3], $0x80, $0x38;
	[tilespmem:$0x11A00] =	vst v63  }
0x89: {  	s31 =	sadd.s32 $0xD688, s24;
	s26 =	sadd.s32 $0x10, s25  }
0x8a: {  	[hbm4b:s26+s3] =	stream.linear.scatter [tilespmem:s31], [sflag:$0x3], $0x80, $0x38;
	[tilespmem:$0x11A00] =	vst v63  }
0x8b: {  	s28 =	sadd.s32 $0xD710, s24;
	s29 =	sadd.s32 $0x20, s25  }
0x8c: {  	[hbm4b:s29+s3] =	stream.linear.scatter [tilespmem:s28], [sflag:$0x3], $0x80, $0x38;
	[tilespmem:$0x11A00] =	vst v63  }
0x8d: {  	s30 =	sadd.s32 $0xD798, s24;
	s31 =	sadd.s32 $0x30, s25  }
0x8e: {  	[hbm4b:s31+s3] =	stream.linear.scatter [tilespmem:s30], [sflag:$0x3], $0x80, $0x38;
	[tilespmem:$0x11A00] =	vst v63  }
0x8f: {  	s28 =	sadd.s32 $0xD820, s24;
	s29 =	sadd.s32 $0x40, s25  }
0x90: {  	[hbm4b:s29+s3] =	stream.linear.scatter [tilespmem:s28], [sflag:$0x3], $0x80, $0x38;
	[tilespmem:$0x11A00] =	vst v63  }
0x91: {  	p1 =	sne.s32 s22, $0x63;
	s30 =	sadd.s32 $0xD8A8, s24;
	s31 =	sadd.s32 $0x50, s25  }
0x92: {  	[hbm4b:s31+s3] =	stream.linear.scatter [tilespmem:s30], [sflag:$0x3], $0x80, $0x38;
	[tilespmem:$0x11A00] =	vst v63  }
.Ltmp2:
0x93: {  	_ = 	snop;
	(pc) =	sbr.rel @p1 .LBB2_8-.Ltmp2, $4  }
0x94: {  	s28 =	sadd.s32 $0xD930, s24;
	s29 =	sadd.s32 $0x60, s25  }
0x95: {  	[hbm4b:s29+s3] =	stream.linear.scatter [tilespmem:s28], [sflag:$0x3], $0x80, $0x38;
	[tilespmem:$0x11A00] =	vst v63  }
0x96: {  	s30 =	sadd.s32 $0xD9B8, s24;
	s31 =	sadd.s32 $0x70, s25  }
0x97: {  	[hbm4b:s31+s3] =	stream.linear.scatter [tilespmem:s30], [sflag:$0x3], $0x80, $0x38;
	[tilespmem:$0x11A00] =	vst v63  }
.Ltmp3:
0x98: {  	(pc) =	sbr.rel .LBB2_9-.Ltmp3, $4  }
0x99: {  	_ = 	snop  }
0x9a: {  	_ =	swait.ge [sflag:s17], $0x2000  }
0x9b: {  	[sflag:s17] =	ssyncset.done $0x0  }
0x9c: {  	[sflag:s17] =	ssyncadd.s32 $0xFFFFE000  }
.LBB2_8:
0x9d: {  	s0 =	sshll.u32 s22, $0x8  }
0x9e: {  	s0 =	sand.u32 $0x3FFFFF00, s0  }
.Ltmp4:
0x9f: {  	s0 =	sadd.s32 $0x100, s0;
	(pc) =	sbr.rel @p0 .LBB2_10-.Ltmp4, $4  }
0xa0: {  	[tilespmem:s13], [sflag:$0x1] =	stream.indirect.gather [hbm4b:s4+s9], $0x40, s0, s9, $0xb8;
	[tilespmem:$0x11A00] =	vst v63  }
0xa1: {  	_ =	swait.ge [sflag:s17], $0x2000  }
0xa2: {  	[sflag:s17] =	ssyncset.done $0x0  }
0xa3: {  	[sflag:s17] =	ssyncadd.s32 $0xFFFFE000  }
.LBB2_9:
0xa4: {  	_ =	swait.ge [sflag:s18], $0x2000  }
0xa5: {  	[sflag:s18] =	ssyncset.done $0x0  }
0xa6: {  	[sflag:s18] =	ssyncadd.s32 $0xFFFFE000  }
.LBB2_10:
0xa7: {  	s0 =	sshll.u32 s23, $0x6;
	s28 =	simm.s32 $0xB670  }
0xa8: {  	s24 =	simm.s32 $0x1;
	s0 =	sand.u32 $0x3FFFFFC0, s0;
	v6 =	vld [tilespmem:s28+$0xFFFFFFD0]  }
0xa9: {  	v4 =	vmov s24;
	v9 =	vld [tilespmem:s0+$0x6400]  }
0xaa: {  	v14 =	vand.u32 $0x7F, v4  }
0xab: {  	v8 =	vadd.s32 v0, v14  }
0xac: {  	s25 =	simm.s32 $0x0;
	v10 =	vld [tilespmem:s28+$0xFFFFFF90]  }
0xad: {  	v7 =	vld [tilespmem:s0+$0x6410];
	v4 =	vmov s25  }
0xae: {  	s24 =	simm.s32 $0xB6F0;
	v5 =	vld [tilespmem:s0+$0x6420];
	v18 =	vand.u32 $0x7E, v4;
	v6 =	vadd.f32 v6, v9  }
0xaf: {  	s26 =	simm.s32 $0x3;
	v12 =	vld [tilespmem:s24+$0xFFFFFFD0];
	v11 =	vadd.s32 v0, v18  }
0xb0: {  	v4 =	vld [tilespmem:s0+$0x6430];
	[tilespmem:v8+s19+$0x0] =	vst.idx.msk $0xffff, v6;
	v6 =	vmov s26  }
0xb1: {  	v6 =	vand.u32 $0x7F, v6;
	v13 =	vld [tilespmem:s28+$0xFFFFFFE0]  }
0xb2: {  	v8 =	vadd.f32 v10, v9;
	v10 =	vadd.s32 v0, v6  }
0xb3: {  	s25 =	simm.s32 $0x2;
	v15 =	vadd.s32 v1, v14  }
0xb4: {  	[tilespmem:v11+s19+$0x0] =	vst.idx.msk $0xffff, v8;
	v8 =	vmov s25;
	v11 =	vld [tilespmem:s24+$0xFFFFFF90]  }
0xb5: {  	v12 =	vadd.f32 v12, v9;
	v8 =	vand.u32 $0x7E, v8;
	v16 =	vld [tilespmem:s28+$0xFFFFFFA0]  }
0xb6: {  	s26 =	simm.s32 $0x5;
	s25 =	simm.s32 $0xB770;
	v17 =	vadd.s32 v0, v8;
	v13 =	vadd.f32 v13, v7  }
0xb7: {  	v19 =	vld [tilespmem:s25+$0xFFFFFFD0];
	[tilespmem:v10+s19+$0x0] =	vst.idx.msk $0xffff, v12;
	v12 =	vadd.s32 v1, v18;
	v10 =	vmov s26  }
0xb8: {  	[tilespmem:v15+s19+$0x0] =	vst.idx.msk $0xffff, v13;
	v10 =	vand.u32 $0x7F, v10;
	v13 =	vld [tilespmem:s24+$0xFFFFFFE0]  }
0xb9: {  	v11 =	vadd.f32 v11, v9;
	v15 =	vadd.s32 v0, v10;
	v20 =	vld [tilespmem:s28+$0xFFFFFFF0]  }
0xba: {  	v21 =	vadd.s32 v1, v6;
	s26 =	simm.s32 $0x4;
	v16 =	vadd.f32 v16, v7  }
0xbb: {  	v22 =	vadd.s32 v2, v14;
	[tilespmem:v17+s19+$0x0] =	vst.idx.msk $0xffff, v11;
	v11 =	vmov s26;
	v17 =	vld [tilespmem:s25+$0xFFFFFF90]  }
0xbc: {  	v11 =	vand.u32 $0x7E, v11;
	[tilespmem:v12+s19+$0x0] =	vst.idx.msk $0xffff, v16;
	v12 =	vadd.f32 v19, v9;
	v16 =	vld [tilespmem:s24+$0xFFFFFFA0]  }
0xbd: {  	s0 =	simm.s32 $0x7;
	s26 =	simm.s32 $0xB7F0;
	v19 =	vadd.s32 v0, v11;
	v13 =	vadd.f32 v13, v7;
	v23 =	vld [tilespmem:s28+$0xFFFFFFB0]  }
0xbe: {  	v24 =	vld [tilespmem:s26+$0xFFFFFFD0];
	[tilespmem:v15+s19+$0x0] =	vst.idx.msk $0xffff, v12;
	v15 =	vadd.s32 v1, v8;
	v20 =	vadd.f32 v20, v5;
	v12 =	vmov s0  }
0xbf: {  	[tilespmem:v21+s19+$0x0] =	vst.idx.msk $0xffff, v13;
	v21 =	vadd.s32 v2, v18;
	v12 =	vand.u32 $0x7F, v12;
	v25 =	vld [tilespmem:s25+$0xFFFFFFE0]  }
0xc0: {  	v13 =	vadd.f32 v17, v9;
	[tilespmem:v22+s19+$0x0] =	vst.idx.msk $0xffff, v20;
	v17 =	vadd.s32 v0, v12;
	v20 =	vld [tilespmem:s24+$0xFFFFFFF0]  }
0xc1: {  	v26 =	vadd.s32 v1, v10;
	s0 =	simm.s32 $0x6;
	v16 =	vadd.f32 v16, v7;
	v27 =	vld [tilespmem:s28+$0x0]  }
0xc2: {  	v28 =	vadd.s32 v2, v6;
	[tilespmem:v19+s19+$0x0] =	vst.idx.msk $0xffff, v13;
	v13 =	vmov s0;
	v19 =	vadd.f32 v23, v5;
	v23 =	vld [tilespmem:s26+$0xFFFFFF90]  }
0xc3: {  	v30 =	vadd.s32 v3, v14;
	v13 =	vand.u32 $0x7E, v13;
	v29 =	vld [tilespmem:s25+$0xFFFFFFA0];
	[tilespmem:v15+s19+$0x0] =	vst.idx.msk $0xffff, v16;
	v16 =	vadd.f32 v24, v9  }
0xc4: {  	[tilespmem:v21+s19+$0x0] =	vst.idx.msk $0xffff, v19;
	v21 =	vadd.s32 v0, v13;
	v14 =	vadd.f32 v25, v7;
	v15 =	vld [tilespmem:s24+$0xFFFFFFB0]  }
0xc5: {  	s29 =	simm.s32 $0xB870;
	s0 =	simm.s32 $0x9;
	v19 =	vadd.s32 v1, v11;
	[tilespmem:v17+s19+$0x0] =	vst.idx.msk $0xffff, v16;
	v20 =	vadd.f32 v20, v5;
	v16 =	vld [tilespmem:s28+$0xFFFFFFC0]  }
0xc6: {  	v22 =	vld [tilespmem:s29+$0xFFFFFFD0];
	v24 =	vmov s0;
	v17 =	vadd.s32 v2, v8;
	[tilespmem:v26+s19+$0x0] =	vst.idx.msk $0xffff, v14;
	v27 =	vadd.f32 v27, v4  }
0xc7: {  	v18 =	vadd.s32 v3, v18;
	v14 =	vand.u32 $0x7F, v24;
	v26 =	vadd.f32 v23, v9;
	v23 =	vld [tilespmem:s26+$0xFFFFFFE0];
	[tilespmem:v28+s19+$0x0] =	vst.idx.msk $0xffff, v20  }
0xc8: {  	s31 =	simm.s32 $0x8;
	s30 =	simm.s32 $0xA;
	s28 =	simm.s32 $0xB870;
	v24 =	vadd.s32 v0, v14;
	v25 =	vadd.f32 v29, v7;
	v20 =	vld [tilespmem:s25+$0xFFFFFFF0];
	[tilespmem:v30+s19+$0x0] =	vst.idx.msk $0xffff, v27  }
.LBB2_11:
0xc9: {  	p0 =	slt.u32 s30, $0x7E;
	[tilespmem:v21+s19+$0x0] =	vst.idx.msk $0xffff, v26;
	v26 =	vadd.s32 v1, v12;
	v15 =	vadd.f32 v15, v5;
	v27 =	vld [tilespmem:s24+$0x0];
	v28 =	vmov v11  }
0xca: {  	v21 =	vmov s31;
	v11 =	vmovc v13;
	s31 =	smov.u32 s30;
	v29 =	vld [tilespmem:s29+$0xFFFFFF90];
	[tilespmem:v19+s19+$0x0] =	vst.idx.msk $0xffff, v25;
	v25 =	vadd.s32 v2, v10;
	v16 =	vadd.f32 v16, v4  }
0xcb: {  	v31 =	vadd.s32 v3, v6;
	v13 =	vand.u32 $0x7E, v21;
	v19 =	vadd.f32 v22, v9;
	v30 =	vld [tilespmem:s26+$0xFFFFFFA0];
	[tilespmem:v17+s19+$0x0] =	vst.idx.msk $0xffff, v15  }
.Ltmp5:
0xcc: {  	v6 =	vmov v10;
	v21 =	vadd.s32 v0, v13;
	v17 =	vadd.f32 v23, v7;
	v15 =	vld [tilespmem:s25+$0xFFFFFFB0];
	[tilespmem:v18+s19+$0x0] =	vst.idx.msk $0xffff, v16;
	(pc) =	sbr.rel @p0 .LBB2_11-.Ltmp5, $4  }
0xcd: {  	s0 =	sadd.s32 $0x1, s30;
	s29 =	sadd.s32 $0x80, s29;
	v10 =	vmov v12;
	[tilespmem:v24+s19+$0x0] =	vst.idx.msk $0xffff, v19;
	v19 =	vadd.s32 v1, v11;
	v18 =	vadd.f32 v20, v5;
	v16 =	vld [tilespmem:s24+$0xFFFFFFC0];
	s24 =	smov.u32 s25  }
0xce: {  	v12 =	vmovc v14;
	v20 =	vmov s0;
	s25 =	smov.u32 s26;
	s26 =	smov.u32 s28;
	s28 =	smov.u32 s29;
	v22 =	vld [tilespmem:s29+$0xFFFFFFD0];
	[tilespmem:v26+s19+$0x0] =	vst.idx.msk $0xffff, v17;
	v17 =	vadd.s32 v2, v28;
	v27 =	vadd.f32 v27, v4  }
0xcf: {  	v14 =	vand.u32 $0x7F, v20;
	v26 =	vadd.f32 v29, v9;
	v23 =	vld [tilespmem:s26+$0xFFFFFFE0];
	[tilespmem:v25+s19+$0x0] =	vst.idx.msk $0xffff, v18;
	v18 =	vadd.s32 v3, v8  }
0xd0: {  	s30 =	sadd.s32 $0x2, s30;
	v24 =	vadd.s32 v0, v14;
	v8 =	vmov v28;
	v25 =	vadd.f32 v30, v7;
	v20 =	vld [tilespmem:s25+$0xFFFFFFF0];
	[tilespmem:v31+s19+$0x0] =	vst.idx.msk $0xffff, v27  }
0xd1: {  	v27 =	vmov s31;
	v28 =	vld [tilespmem:s29+$0xFFFFFF90]  }
0xd2: {  	v27 =	vand.u32 $0x7E, v27  }
0xd3: {  	v29 =	vadd.s32 v0, v27;
	_ =	sdelay $0x1  }
0xd4: {  	v22 =	vadd.f32 v22, v9  }
0xd5: {  	[tilespmem:v21+s19+$0x0] =	vst.idx.msk $0xffff, v26;
	v57 =	vadd.f32 v28, v9  }
0xd6: {  	v21 =	vld [tilespmem:s26+$0xFFFFFFA0];
	[tilespmem:v24+s19+$0x0] =	vst.idx.msk $0xffff, v22  }
0xd7: {  	v58 =	vadd.s32 v1, v12;
	v24 =	vld [tilespmem:s28+$0xFFFFFFE0];
	[tilespmem:v29+s19+$0x0] =	vst.idx.msk $0xffff, v57  }
0xd8: {  	v59 =	vadd.s32 v1, v13;
	v60 =	vld [tilespmem:s28+$0xFFFFFFA0]  }
0xd9: {  	v61 =	vadd.s32 v1, v14  }
0xda: {  	v62 =	vadd.s32 v1, v27;
	v23 =	vadd.f32 v23, v7  }
0xdb: {  	[tilespmem:v19+s19+$0x0] =	vst.idx.msk $0xffff, v25;
	v63 =	vadd.f32 v21, v7  }
0xdc: {  	v30 =	vld [tilespmem:s25+$0xFFFFFFB0];
	[tilespmem:v58+s19+$0x0] =	vst.idx.msk $0xffff, v23;
	v31 =	vadd.f32 v24, v7  }
0xdd: {  	v32 =	vadd.s32 v2, v10;
	v33 =	vld [tilespmem:s26+$0xFFFFFFF0];
	[tilespmem:v59+s19+$0x0] =	vst.idx.msk $0xffff, v63;
	v34 =	vadd.f32 v60, v7  }
0xde: {  	v35 =	vadd.f32 v15, v5;
	v36 =	vadd.s32 v2, v11;
	v19 =	vld [tilespmem:s26+$0xFFFFFFB0];
	[tilespmem:v61+s19+$0x0] =	vst.idx.msk $0xffff, v31  }
0xdf: {  	v37 =	vadd.s32 v2, v12;
	v16 =	vadd.f32 v16, v4;
	v38 =	vld [tilespmem:s28+$0xFFFFFFF0];
	[tilespmem:v62+s19+$0x0] =	vst.idx.msk $0xffff, v34  }
0xe0: {  	v40 =	vadd.s32 v2, v13;
	[tilespmem:v17+s19+$0x0] =	vst.idx.msk $0xffff, v35;
	v39 =	vadd.f32 v20, v5;
	v41 =	vld [tilespmem:s28+$0xFFFFFFB0]  }
0xe1: {  	v42 =	vld [tilespmem:s24+$0x0];
	v44 =	vadd.s32 v2, v14;
	[tilespmem:v18+s19+$0x0] =	vst.idx.msk $0xffff, v16;
	v43 =	vadd.f32 v30, v5  }
0xe2: {  	v47 =	vadd.s32 v2, v27;
	v45 =	vld [tilespmem:s24+$0xFFFFFFC0];
	[tilespmem:v32+s19+$0x0] =	vst.idx.msk $0xffff, v39;
	v46 =	vadd.f32 v33, v5  }
0xe3: {  	v6 =	vadd.s32 v3, v6;
	v48 =	vld [tilespmem:s25+$0x0];
	[tilespmem:v36+s19+$0x0] =	vst.idx.msk $0xffff, v43;
	v49 =	vadd.f32 v19, v5  }
0xe4: {  	v8 =	vadd.s32 v3, v8;
	v16 =	vld [tilespmem:s25+$0xFFFFFFC0];
	[tilespmem:v37+s19+$0x0] =	vst.idx.msk $0xffff, v46;
	v50 =	vadd.f32 v38, v5  }
0xe5: {  	v51 =	vadd.s32 v3, v10;
	v52 =	vld [tilespmem:s26+$0x0];
	[tilespmem:v40+s19+$0x0] =	vst.idx.msk $0xffff, v49;
	v5 =	vadd.f32 v41, v5  }
0xe6: {  	v54 =	vadd.s32 v3, v11;
	v53 =	vadd.f32 v42, v4;
	v15 =	vld [tilespmem:s26+$0xFFFFFFC0];
	[tilespmem:v44+s19+$0x0] =	vst.idx.msk $0xffff, v50  }
0xe7: {  	v56 =	vadd.s32 v3, v12;
	v55 =	vadd.f32 v45, v4;
	v57 =	vld [tilespmem:s28+$0x0];
	[tilespmem:v47+s19+$0x0] =	vst.idx.msk $0xffff, v5  }
0xe8: {  	v58 =	vadd.s32 v3, v13;
	[tilespmem:v6+s19+$0x0] =	vst.idx.msk $0xffff, v53;
	v5 =	vadd.f32 v48, v4;
	v59 =	vld [tilespmem:s28+$0xFFFFFFC0]  }
0xe9: {  	[tilespmem:v8+s19+$0x0] =	vst.idx.msk $0xffff, v55;
	v61 =	vadd.s32 v3, v14;
	v60 =	vadd.f32 v16, v4  }
0xea: {  	v62 =	vadd.s32 v3, v27;
	[tilespmem:v51+s19+$0x0] =	vst.idx.msk $0xffff, v5;
	v5 =	vadd.f32 v52, v4  }
0xeb: {  	[tilespmem:v54+s19+$0x0] =	vst.idx.msk $0xffff, v60;
	v63 =	vadd.f32 v15, v4  }
0xec: {  	s0 =	sshll.u32 s23, $0x12;
	[tilespmem:v56+s19+$0x0] =	vst.idx.msk $0xffff, v5;
	v5 =	vadd.f32 v57, v4  }
0xed: {  	s0 =	sor.u32 s7, s0;
	[tilespmem:v58+s19+$0x0] =	vst.idx.msk $0xffff, v63;
	v4 =	vadd.f32 v59, v4  }
0xee: {  	s0 =	sshrl.u32 s0, $0x3;
	[tilespmem:v61+s19+$0x0] =	vst.idx.msk $0xffff, v5  }
0xef: {  	s31 =	simm.s32 $0xF800;
	s0 =	sadd.s32 s2, s0;
	[tilespmem:v62+s19+$0x0] =	vst.idx.msk $0xffff, v4  }
0xf0: {  	[hbm4b:s0+s3] =	stream.linear.scatter [tilespmem:s31], [sflag:$0x4], $0x80, $0x38;
	[tilespmem:$0x11A00] =	vst v63  }
0xf1: {  	s24 =	simm.s32 $0xF888;
	s25 =	sadd.s32 $0x10, s0  }
0xf2: {  	[hbm4b:s25+s3] =	stream.linear.scatter [tilespmem:s24], [sflag:$0x4], $0x80, $0x38;
	[tilespmem:$0x11A00] =	vst v63  }
0xf3: {  	s30 =	simm.s32 $0xF998;
	s29 =	sadd.s32 $0x20, s0;
	s26 =	simm.s32 $0xF910  }
0xf4: {  	[hbm4b:s29+s3] =	stream.linear.scatter [tilespmem:s26], [sflag:$0x4], $0x80, $0x38;
	[tilespmem:$0x11A00] =	vst v63  }
0xf5: {  	s23 =	simm.s32 $0x440;
	s28 =	sadd.s32 $0x70, s0;
	s31 =	sadd.s32 $0x30, s0  }
0xf6: {  	[hbm4b:s31+s3] =	stream.linear.scatter [tilespmem:s30], [sflag:$0x4], $0x80, $0x38;
	[tilespmem:$0x11A00] =	vst v63  }
0xf7: {  	s24 =	simm.s32 $0xFA20;
	s25 =	sadd.s32 $0x40, s0;
	s26 =	simm.s32 $0xFAA8  }
0xf8: {  	[hbm4b:s25+s3] =	stream.linear.scatter [tilespmem:s24], [sflag:$0x4], $0x80, $0x38;
	[tilespmem:$0x11A00] =	vst v63  }
0xf9: {  	s29 =	sadd.s32 $0x50, s0;
	s30 =	simm.s32 $0xFB30;
	s31 =	sadd.s32 $0x60, s0  }
0xfa: {  	[hbm4b:s29+s3] =	stream.linear.scatter [tilespmem:s26], [sflag:$0x4], $0x80, $0x38;
	[tilespmem:$0x11A00] =	vst v63  }
0xfb: {  	s25 =	simm.s32 $0x2200;
	s24 =	sadd.s32 $0x1000, s0;
	s26 =	simm.s32 $0xFBB8  }
0xfc: {  	[hbm4b:s31+s3] =	stream.linear.scatter [tilespmem:s30], [sflag:$0x4], $0x80, $0x38;
	[tilespmem:$0x11A00] =	vst v63  }
.LBB2_13:
0xfd: {  	[hbm4b:s28+s3] =	stream.linear.scatter [tilespmem:s26], [sflag:$0x4], $0x80, $0x38;
	[tilespmem:$0x11A00] =	vst v63  }
0xfe: {  	s0 =	smov.u32 s23;
	s23 =	smov.u32 s25  }
0xff: {  	s29 =	sadd.s32 $0x1100, s25;
	s23 =	sshra.s32 s23, $0x2;
	s26 =	sadd.s32 $0xF800, s0  }
0x100: {  	[hbm4b:s24+s3] =	stream.linear.scatter [tilespmem:s26], [sflag:$0x4], $0x80, $0x38;
	[tilespmem:$0x11A00] =	vst v63  }
0x101: {  	p0 =	sne.s32 s25, $0x7700;
	s25 =	sadd.s32 $0xF888, s0;
	s26 =	sadd.s32 $0x10, s24  }
0x102: {  	[hbm4b:s26+s3] =	stream.linear.scatter [tilespmem:s25], [sflag:$0x4], $0x80, $0x38;
	[tilespmem:$0x11A00] =	vst v63  }
0x103: {  	s25 =	sadd.s32 $0xF910, s0;
	s26 =	sadd.s32 $0x20, s24  }
0x104: {  	[hbm4b:s26+s3] =	stream.linear.scatter [tilespmem:s25], [sflag:$0x4], $0x80, $0x38;
	[tilespmem:$0x11A00] =	vst v63  }
0x105: {  	s25 =	sadd.s32 $0xF998, s0;
	s26 =	sadd.s32 $0x30, s24  }
0x106: {  	[hbm4b:s26+s3] =	stream.linear.scatter [tilespmem:s25], [sflag:$0x4], $0x80, $0x38;
	[tilespmem:$0x11A00] =	vst v63  }
0x107: {  	s25 =	sadd.s32 $0xFA20, s0;
	s26 =	sadd.s32 $0x40, s24  }
0x108: {  	[hbm4b:s26+s3] =	stream.linear.scatter [tilespmem:s25], [sflag:$0x4], $0x80, $0x38;
	[tilespmem:$0x11A00] =	vst v63  }
.Ltmp6:
0x109: {  	s25 =	sadd.s32 $0xFAA8, s0;
	s26 =	sadd.s32 $0x50, s24;
	(pc) =	sbr.rel @p0 .LBB2_13-.Ltmp6, $4  }
0x10a: {  	[hbm4b:s26+s3] =	stream.linear.scatter [tilespmem:s25], [sflag:$0x4], $0x80, $0x38;
	[tilespmem:$0x11A00] =	vst v63  }
0x10b: {  	s28 =	sadd.s32 $0x70, s24;
	s25 =	sadd.s32 $0xFB30, s0;
	s26 =	sadd.s32 $0x60, s24  }
0x10c: {  	[hbm4b:s26+s3] =	stream.linear.scatter [tilespmem:s25], [sflag:$0x4], $0x80, $0x38;
	[tilespmem:$0x11A00] =	vst v63  }
0x10d: {  	s24 =	sadd.s32 $0x1000, s24;
	s26 =	sadd.s32 $0xFBB8, s0;
	s25 =	smov.u32 s29  }
0x10e: {  	[hbm4b:s28+s3] =	stream.linear.scatter [tilespmem:s26], [sflag:$0x4], $0x80, $0x38;
	[tilespmem:$0x11A00] =	vst v63  }
0x10f: {  	s0 =	sadd.s32 $0xF800, s23  }
0x110: {  	[hbm4b:s24+s3] =	stream.linear.scatter [tilespmem:s0], [sflag:$0x4], $0x80, $0x38;
	[tilespmem:$0x11A00] =	vst v63  }
0x111: {  	s31 =	sadd.s32 $0xF888, s23;
	s25 =	sadd.s32 $0x10, s24  }
0x112: {  	[hbm4b:s25+s3] =	stream.linear.scatter [tilespmem:s31], [sflag:$0x4], $0x80, $0x38;
	[tilespmem:$0x11A00] =	vst v63  }
0x113: {  	s26 =	sadd.s32 $0x20, s24;
	s25 =	sadd.s32 $0xF910, s23  }
0x114: {  	[hbm4b:s26+s3] =	stream.linear.scatter [tilespmem:s25], [sflag:$0x4], $0x80, $0x38;
	[tilespmem:$0x11A00] =	vst v63  }
0x115: {  	s28 =	sadd.s32 $0xF998, s23;
	s29 =	sadd.s32 $0x30, s24  }
0x116: {  	[hbm4b:s29+s3] =	stream.linear.scatter [tilespmem:s28], [sflag:$0x4], $0x80, $0x38;
	[tilespmem:$0x11A00] =	vst v63  }
0x117: {  	s30 =	sadd.s32 $0xFA20, s23;
	s22 =	sadd.s32 $0x1, s22;
	s31 =	sadd.s32 $0x40, s24  }
0x118: {  	[hbm4b:s31+s3] =	stream.linear.scatter [tilespmem:s30], [sflag:$0x4], $0x80, $0x38;
	[tilespmem:$0x11A00] =	vst v63  }
0x119: {  	p0 =	sne.s32 s22, $0x64;
	s25 =	sadd.s32 $0xFAA8, s23;
	s26 =	sadd.s32 $0x50, s24  }
0x11a: {  	[hbm4b:s26+s3] =	stream.linear.scatter [tilespmem:s25], [sflag:$0x4], $0x80, $0x38;
	[tilespmem:$0x11A00] =	vst v63  }
.Ltmp7:
0x11b: {  	_ = 	snop;
	(pc) =	sbr.rel @p0 .LBB2_2-.Ltmp7, $4  }
0x11c: {  	s28 =	sadd.s32 $0xFB30, s23;
	s29 =	sadd.s32 $0x60, s24  }
0x11d: {  	[hbm4b:s29+s3] =	stream.linear.scatter [tilespmem:s28], [sflag:$0x4], $0x80, $0x38;
	[tilespmem:$0x11A00] =	vst v63  }
0x11e: {  	s30 =	sadd.s32 $0xFBB8, s23;
	s31 =	sadd.s32 $0x70, s24  }
0x11f: {  	[hbm4b:s31+s3] =	stream.linear.scatter [tilespmem:s30], [sflag:$0x4], $0x80, $0x38;
	[tilespmem:$0x11A00] =	vst v63  }
0x120: {  	s21 =	sadd.s32 $0x1, s21  }
0x121: {  	_ =	swait.ge [sflag:s20], $0x2000;
	p0 =	sne.s32 s21, s8  }
.Ltmp8:
0x122: {  	[sflag:s20] =	ssyncset.done $0x0;
	(pc) =	sbr.rel @p0 .LBB2_1-.Ltmp8, $4  }
0x123: {  	[sflag:s20] =	ssyncadd.s32 $0xFFFFE000  }
0x124: {  	_ =	swait.ge [sflag:s18], $0x2000  }
0x125: {  	[sflag:s18] =	ssyncset.done $0x0  }
0x126: {  	[sflag:s18] =	ssyncadd.s32 $0xFFFFE000  }
0x127: {  	_ =	sfence.sel $0x180000  }
0x128: {  	[bflag:$0x0] =	sbarrier.arrive $0xFFFF  }
0x129: {  	_ =	strace $0x90000047  }
0x12a: {  	[bflag:$0x2] =	sbarrier.arrive $0xFFFF  }
0x12b: {  	p0 =	sne.s32 s1, $0x0;
	s0 =	rddreg [dreg:$0x2]  }
0x12c: {  	s0 =	sadd.s32 @!p0 $0x100000, s0  }
0x12d: {  	[sflag:s0] =	ssyncadd.tile.s32 @!p0 $0x1;
	_ =	shalt  }
.Lfunc_end2:
_tile_overlayer_lowered:
.L_overlay_start_2:
0x12e: {  	(tag) =	ssettag $0x2  }
0x12f: {  	s0 =	rddreg [dreg:$0x0];
	s2 =	stileid.u32  }
0x130: {  	s1 =	rddreg [dreg:$0x1];
	p0 =	sne.s32 s2, $0x0  }
0x131: {  	s3 =	rddreg [dreg:$0x2];
	[bflag:$0x3] =	sbarrier.arrive $0xFFFF;
	s2 =	simm.s32 @!p0 $0x1C05  }
0x132: {  	[timem:s3], [sflag:s2] =	dma.local @!p0 [hbm:s0], s1  }
0x133: {  	s0 =	simm.s32 @!p0 $0x5  }
0x134: {  	_ =	swait.ge @!p0 [sflag:s0], s1  }
0x135: {  	s1 =	ssub.s32 @!p0 $0x0, s1;
	[sflag:s0] =	ssyncset.done @!p0 $0x0  }
0x136: {  	[sflag:s0] =	ssyncadd.s32 @!p0 s1  }
0x137: {  	[bflag:$0x3] =	sbarrier.arrive $0xFFFF  }
0x138: {  	_ =	shalt  }

</sc_bundles>
